<compile_context>
chip_gen: v7x
topology: tpu7x:2x2x1
jax: 0.10.2.dev20260603
libtpu: 0.0.44.dev20260713+nightly
codegen_flags: <defaults>
</compile_context>

<pallas_src>
import functools

import jax
import jax.numpy as jnp
from jax import lax
from jax.experimental import pallas as pl
from jax.experimental.pallas import tpu as pltpu
from jax.experimental.pallas import tpu_sc as plsc

N = 10000
E = 320000
D_IN = 128
D_OUT = 128
H = 32

NC, NS = 2, 16
NW = NC * NS
CH = 128
NCHUNK = 81
EPW = NCHUNK * CH
EP = NW * EPW
NP = 10240
RPS = NP // NS
N2 = N // 2
NP2 = NP // 2
RPS2 = RPS // 2


@functools.cache
def _get_sc_aggregate():
    mesh = plsc.VectorSubcoreMesh(
        core_axis_name="c", subcore_axis_name="s",
        num_cores=NC, num_subcores=NS)
    @functools.partial(
        pl.kernel,
        out_type=jax.ShapeDtypeStruct((NC, NP, 2 * H), jnp.float32),
        mesh=mesh,
        scratch_types=[
            pltpu.VMEM((NCHUNK, CH), jnp.int32),
            pltpu.VMEM((NCHUNK, CH), jnp.int32),
            [pltpu.VMEM((CH, 2 * H), jnp.float32) for _ in range(2)],
            pltpu.VMEM_SHARED((NP, 2 * H), jnp.float32),
            pltpu.VMEM_SHARED((NP, 2 * H), jnp.float32),
            [pltpu.SemaphoreType.DMA for _ in range(2)],
            [pltpu.SemaphoreType.DMA for _ in range(2)],
            pltpu.SemaphoreType.DMA,
        ],
        compiler_params=pltpu.CompilerParams(use_tc_tiling_on_sc=False),
    )
    def _sc_aggregate(u_hbm, src_hbm, dst_hbm, z_hbm, out_hbm,
                      src_v, dst_v, rows, acc_sh, u_sh, gsem, ssem, usem):
        c = lax.axis_index("c")
        s = lax.axis_index("s")
        wid = c * NS + s
        u_stage = pltpu.async_copy(u_hbm.at[pl.ds(s * RPS, RPS)],
                                   u_sh.at[pl.ds(s * RPS, RPS)], usem)
        zc = pltpu.async_copy(z_hbm.at[pl.ds(s * RPS, RPS)],
                              acc_sh.at[pl.ds(s * RPS, RPS)], ssem[0])
        s_load = pltpu.async_copy(src_hbm.at[wid], src_v, gsem[0])
        d_load = pltpu.async_copy(dst_hbm.at[wid], dst_v, gsem[1])
        s_load.wait()
        d_load.wait()
        zc.wait()
        u_stage.wait()
        plsc.subcore_barrier()

        def g_start(j, b):
            pltpu.async_copy(u_sh.at[src_v.at[j]], rows[b], gsem[b])

        def g_wait(j, b):
            pltpu.make_async_copy(u_sh.at[src_v.at[j]], rows[b], gsem[b]).wait()

        def s_start(j, b):
            pltpu.async_copy(rows[b], acc_sh.at[dst_v.at[j]], ssem[b], add=True)

        def s_wait(j, b):
            pltpu.make_async_copy(rows[b], acc_sh.at[dst_v.at[j]], ssem[b]).wait()

        g_start(0, 0)
        g_start(1, 1)
        g_wait(0, 0)
        s_start(0, 0)
        g_wait(1, 1)
        s_start(1, 1)

        def pair_body(i, carry):
            j0 = 2 * i
            j1 = j0 + 1
            s_wait(j0, 0)
            g_start(j0, 0)
            s_wait(j1, 1)
            g_start(j1, 1)
            g_wait(j0, 0)
            s_start(j0, 0)
            g_wait(j1, 1)
            s_start(j1, 1)
            return carry

        lax.fori_loop(1, (NCHUNK - 1) // 2, pair_body, 0)
        s_wait(NCHUNK - 3, 0)
        g_start(NCHUNK - 1, 0)
        g_wait(NCHUNK - 1, 0)
        s_start(NCHUNK - 1, 0)
        s_wait(NCHUNK - 1, 0)
        s_wait(NCHUNK - 2, 1)
        plsc.subcore_barrier()
        pltpu.sync_copy(acc_sh.at[pl.ds(s * RPS, RPS)],
                        out_hbm.at[c, pl.ds(s * RPS, RPS)])

    return _sc_aggregate


def _build_u(xp, u_ref):
    r = jnp.maximum(xp, 0.0) + 1e-7
    g = jnp.max(r)
    q = jnp.exp(r - g)
    p = q * r
    u2 = jnp.concatenate(
        [q[:, 0:H], p[:, 0:H], q[:, H:2 * H], p[:, H:2 * H]], axis=1)
    u_ref[0:N2, :] = u2
    u_ref[N2:NP2, :] = jnp.zeros((NP2 - N2, 4 * H), jnp.float32)


def _pre_body(xv_ref, w0_ref, b0_ref, xp_ref, u_ref):
    xp = jnp.dot(xv_ref[...], w0_ref[...],
                 preferred_element_type=jnp.float32) + b0_ref[...]
    xp_ref[...] = xp
    _build_u(xp, u_ref)


_pre_call = pl.pallas_call(
    _pre_body,
    out_shape=(jax.ShapeDtypeStruct((N2, 2 * H), jnp.float32),
               jax.ShapeDtypeStruct((NP2, 4 * H), jnp.float32)),
)


def _conv_dense(part, xp, w1d, b1d, gd, bed, w2d, b2d):
    sall = part[0, 0:N2, :] + part[1, 0:N2, :]
    den = jnp.concatenate([sall[:, 0:H], sall[:, 2 * H:3 * H]], axis=1)
    num = jnp.concatenate([sall[:, H:2 * H], sall[:, 3 * H:4 * H]], axis=1)
    aggr = num / (den + 1e-30)
    h = aggr + xp
    h1 = jnp.dot(h, w1d, preferred_element_type=jnp.float32) + b1d
    mean = jnp.mean(h1, axis=0, keepdims=True)
    meanb = (mean[:, 0:2 * H] + mean[:, 2 * H:4 * H]) * 0.5
    meanb = jnp.concatenate([meanb, meanb], axis=1)
    d = h1 - meanb
    var = jnp.mean(d * d, axis=0, keepdims=True)
    varb = (var[:, 0:2 * H] + var[:, 2 * H:4 * H]) * 0.5
    varb = jnp.concatenate([varb, varb], axis=1)
    hn = d * (gd / jnp.sqrt(varb + 1e-5)) + bed
    hr = jnp.maximum(hn, 0.0)
    h2 = jnp.dot(hr, w2d, preferred_element_type=jnp.float32) + b2d
    return jnp.maximum(h2, 0.0)


def _mid_body(part_ref, xp_ref, w1_ref, b1_ref, g_ref, be_ref, w2_ref, b2_ref,
              xn_ref, u_ref):
    xn = _conv_dense(part_ref[...], xp_ref[...], w1_ref[...], b1_ref[...],
                     g_ref[...], be_ref[...], w2_ref[...], b2_ref[...])
    xn_ref[...] = xn
    _build_u(xn, u_ref)


_mid_call = pl.pallas_call(
    _mid_body,
    out_shape=(jax.ShapeDtypeStruct((N2, 2 * H), jnp.float32),
               jax.ShapeDtypeStruct((NP2, 4 * H), jnp.float32)),
)


def _last_body(part_ref, xp_ref, w1_ref, b1_ref, g_ref, be_ref, w2_ref, b2_ref,
               w4_ref, b4_ref, out_ref):
    x3 = _conv_dense(part_ref[...], xp_ref[...], w1_ref[...], b1_ref[...],
                     g_ref[...], be_ref[...], w2_ref[...], b2_ref[...])
    out_ref[...] = jnp.dot(x3, w4_ref[...],
                           preferred_element_type=jnp.float32) + b4_ref[...]


_last_call = pl.pallas_call(
    _last_body,
    out_shape=jax.ShapeDtypeStruct((N2, 2 * D_OUT), jnp.float32),
)


def _dbl_w(w):
    a, b = w.shape
    z = jnp.zeros((a, b), jnp.float32)
    return jnp.concatenate(
        [jnp.concatenate([w, z], axis=1), jnp.concatenate([z, w], axis=1)],
        axis=0)


def _dbl_b(b):
    return jnp.concatenate([b, b]).reshape(1, -1)


def kernel(x, edge_index, w0, b0,
           c1_w1, c1_b1, c1_g, c1_be, c1_w2, c1_b2,
           c2_w1, c2_b1, c2_g, c2_be, c2_w2, c2_b2,
           c3_w1, c3_b1, c3_g, c3_be, c3_w2, c3_b2,
           w4, b4):
    padrow = N + jnp.arange(EP - E, dtype=jnp.int32) % (NP - N)
    srcr = jnp.concatenate([edge_index[0], padrow]).reshape(NW, NCHUNK, CH)
    dstr = jnp.concatenate([edge_index[1], padrow]).reshape(NW, NCHUNK, CH)
    z = jnp.zeros((NP, 2 * H), jnp.float32)

    xp, u = _pre_call(jnp.reshape(x, (N2, 2 * D_IN)), _dbl_w(w0), _dbl_b(b0))
    convs = [
        (c1_w1, c1_b1, c1_g, c1_be, c1_w2, c1_b2),
        (c2_w1, c2_b1, c2_g, c2_be, c2_w2, c2_b2),
        (c3_w1, c3_b1, c3_g, c3_be, c3_w2, c3_b2),
    ]
    sc_aggregate = _get_sc_aggregate()
    for layer, (w1, b1, g, be, w2, b2) in enumerate(convs):
        part = sc_aggregate(jnp.reshape(u, (NP, 2 * H)), srcr, dstr, z)
        part = jnp.reshape(part, (NC, NP2, 4 * H))
        args = (part, xp, _dbl_w(w1), _dbl_b(b1), _dbl_b(g), _dbl_b(be),
                _dbl_w(w2), _dbl_b(b2))
        if layer < 2:
            xp, u = _mid_call(*args)
        else:
            out = _last_call(*args, _dbl_w(w4), _dbl_b(b4))
    return jnp.reshape(out, (N, D_OUT))

# --- scband reference (transcript-rebuilt; emitter-appended) ---
"""Pipeline reference for scband-gen4-3496103379560 (READ-ONLY COPY).

The authoritative reference and input builder live on the scoring server;
editing this copy changes nothing except your own understanding.
"""

import jax, jax.numpy as jnp
import numpy as np

N = 10000
E = 320000
D_IN = 128
D_OUT = 128
H = 32


def _dense(key, shape, fan_in):
    return jax.random.uniform(key, shape, jnp.float32, -1.0, 1.0) / np.sqrt(fan_in)


def setup_inputs(seed: int = 0):
    key = jax.random.key(seed)
    ks = jax.random.split(key, 16)
    inp = {}
    inp["x"] = jax.random.normal(ks[0], (N, D_IN), jnp.float32)
    inp["edge_index"] = jax.random.randint(ks[1], (2, E), 0, N, jnp.int32)
    inp["w0"] = _dense(ks[2], (D_IN, H), D_IN)
    inp["b0"] = jnp.zeros((H,), jnp.float32)
    i = 3
    for l in (1, 2, 3):
        inp["c%d_w1" % l] = _dense(ks[i], (H, 2 * H), H); i += 1
        inp["c%d_b1" % l] = jnp.zeros((2 * H,), jnp.float32)
        inp["c%d_g" % l] = jnp.ones((2 * H,), jnp.float32)
        inp["c%d_be" % l] = jnp.zeros((2 * H,), jnp.float32)
        inp["c%d_w2" % l] = _dense(ks[i], (2 * H, H), 2 * H); i += 1
        inp["c%d_b2" % l] = jnp.zeros((H,), jnp.float32)
    inp["w4"] = _dense(ks[i], (H, D_OUT), H)
    inp["b4"] = jnp.zeros((D_OUT,), jnp.float32)
    return inp


def _gen_conv(x, edge_index, w1, b1, g, be, w2, b2):
    # GENConv with default aggr='softmax' (t=1.0), eps=1e-7, MLP [H, 2H, H] with BatchNorm+ReLU
    src = edge_index[0]
    dst = edge_index[1]
    n = x.shape[0]
    msg = jax.nn.relu(x[src]) + 1e-7
    m_max = jax.ops.segment_max(msg, dst, num_segments=n)
    m_max = jnp.where(jnp.isfinite(m_max), m_max, 0.0)
    ex = jnp.exp(msg - m_max[dst])
    denom = jax.ops.segment_sum(ex, dst, num_segments=n)
    alpha = ex / (denom[dst] + 1e-16)
    aggr = jax.ops.segment_sum(alpha * msg, dst, num_segments=n)
    h = aggr + x
    h = h @ w1 + b1
    mean = jnp.mean(h, axis=0)
    var = jnp.var(h, axis=0)
    h = (h - mean) / jnp.sqrt(var + 1e-5) * g + be
    h = jax.nn.relu(h)
    h = h @ w2 + b2
    return h


def reference(x, edge_index, w0, b0, c1_w1, c1_b1, c1_g, c1_be, c1_w2, c1_b2, c2_w1, c2_b1, c2_g, c2_be, c2_w2, c2_b2, c3_w1, c3_b1, c3_g, c3_be, c3_w2, c3_b2, w4, b4):
    x0 = x @ w0 + b0
    x1 = jax.nn.relu(_gen_conv(x0, edge_index, c1_w1, c1_b1, c1_g, c1_be, c1_w2, c1_b2))
    x2 = jax.nn.relu(_gen_conv(x1, edge_index, c2_w1, c2_b1, c2_g, c2_be, c2_w2, c2_b2))
    x3 = jax.nn.relu(_gen_conv(x2, edge_index, c3_w1, c3_b1, c3_g, c3_be, c3_w2, c3_b2))
    return x3 @ w4 + b4

if __name__ == "__main__":
    import jax
    _d = setup_inputs()
    print(jax.jit(kernel)(*tuple(_d.values())))

</pallas_src>

<mosaic_0001>
#map = affine_map<(d0, d1) -> (0, 0)>
#map1 = affine_map<(d0, d1) -> (0, 0, 0)>
module attributes {stable_mosaic.version = 14 : i64} {
  func.func @_sc_aggregate(%arg0: i32, %arg1: i32, %arg2: memref<10240x64xf32, #tpu.memory_space<hbm>>, %arg3: memref<32x81x128xi32, #tpu.memory_space<hbm>>, %arg4: memref<32x81x128xi32, #tpu.memory_space<hbm>>, %arg5: memref<10240x64xf32, #tpu.memory_space<hbm>>, %arg6: memref<2x10240x64xf32, #tpu.memory_space<hbm>>, %arg7: memref<81x128xi32, #tpu.memory_space<vmem>>, %arg8: memref<81x128xi32, #tpu.memory_space<vmem>>, %arg9: memref<128x64xf32, #tpu.memory_space<vmem>>, %arg10: memref<128x64xf32, #tpu.memory_space<vmem>>, %arg11: memref<10240x64xf32, #tpu.memory_space<vmem_shared>>, %arg12: memref<10240x64xf32, #tpu.memory_space<vmem_shared>>, %arg13: memref<!tpu.dma_semaphore, #tpu.memory_space<semaphore_mem>>, %arg14: memref<!tpu.dma_semaphore, #tpu.memory_space<semaphore_mem>>, %arg15: memref<!tpu.dma_semaphore, #tpu.memory_space<semaphore_mem>>, %arg16: memref<!tpu.dma_semaphore, #tpu.memory_space<semaphore_mem>>, %arg17: memref<!tpu.dma_semaphore, #tpu.memory_space<semaphore_mem>>) attributes {dimension_semantics = [#tpu.dimension_semantics<core_parallel>, #tpu.dimension_semantics<subcore_parallel>], iteration_bounds = array<i64: 2, 16>, scalar_prefetch = 0 : i64, scratch_operands = 11 : i64, tpu.core_type = #tpu.core_type<sc_vector_subcore>, window_params = [{transform_indices = #map}, {transform_indices = #map1}, {transform_indices = #map1}, {transform_indices = #map}, {transform_indices = #map1}]} {
    %mul3A = arith.constant 16 : i32
    %mul3A_0 = arith.muli %arg0, %mul3A : i32
    %add3A = arith.addi %mul3A_0, %arg1 : i32
    %mul3A_1 = arith.constant 640 : i32
    %mul3A_2 = arith.muli %arg1, %mul3A_1 : i32
    %mul3A_3 = arith.constant 640 : i32
    %mul3A_4 = arith.muli %arg1, %mul3A_3 : i32
    %dma_start3A = arith.constant 0 : i32
    %dma_start3A_5 = tpu.memref_slice %arg12[%mul3A_4, %dma_start3A] : memref<10240x64xf32, #tpu.memory_space<vmem_shared>> -> memref<640x64xf32, #tpu.memory_space<vmem_shared>>
    %dma_start3A_6 = arith.constant 0 : i32
    %dma_start3A_7 = tpu.memref_slice %arg2[%mul3A_2, %dma_start3A_6] : memref<10240x64xf32, #tpu.memory_space<hbm>> -> memref<640x64xf32, #tpu.memory_space<hbm>>
    tpu.enqueue_dma source(%dma_start3A_7 : memref<640x64xf32, #tpu.memory_space<hbm>>) target(%dma_start3A_5 : memref<640x64xf32, #tpu.memory_space<vmem_shared>>) target_semaphore(%arg17 : memref<!tpu.dma_semaphore, #tpu.memory_space<semaphore_mem>>)
    %mul3A_8 = arith.constant 640 : i32
    %mul3A_9 = arith.muli %arg1, %mul3A_8 : i32
    %mul3A_10 = arith.constant 640 : i32
    %mul3A_11 = arith.muli %arg1, %mul3A_10 : i32
    %dma_start3A_12 = arith.constant 0 : i32
    %dma_start3A_13 = tpu.memref_slice %arg11[%mul3A_11, %dma_start3A_12] : memref<10240x64xf32, #tpu.memory_space<vmem_shared>> -> memref<640x64xf32, #tpu.memory_space<vmem_shared>>
    %dma_start3A_14 = arith.constant 0 : i32
    %dma_start3A_15 = tpu.memref_slice %arg5[%mul3A_9, %dma_start3A_14] : memref<10240x64xf32, #tpu.memory_space<hbm>> -> memref<640x64xf32, #tpu.memory_space<hbm>>
    tpu.enqueue_dma source(%dma_start3A_15 : memref<640x64xf32, #tpu.memory_space<hbm>>) target(%dma_start3A_13 : memref<640x64xf32, #tpu.memory_space<vmem_shared>>) target_semaphore(%arg15 : memref<!tpu.dma_semaphore, #tpu.memory_space<semaphore_mem>>)
    %dma_start3A_16 = arith.constant 0 : i32
    %dma_start3A_17 = arith.constant 0 : i32
    %dma_start3A_18 = tpu.memref_slice %arg3[%add3A, %dma_start3A_16, %dma_start3A_17] : memref<32x81x128xi32, #tpu.memory_space<hbm>> -> memref<1x81x128xi32, #tpu.memory_space<hbm>>
    %dma_start3A_19 = tpu.memref_squeeze %dma_start3A_18 : memref<1x81x128xi32, #tpu.memory_space<hbm>> -> memref<81x128xi32, #tpu.memory_space<hbm>>
    %dma_start3A_20 = arith.constant 0 : i32
    %dma_start3A_21 = arith.constant 0 : i32
    %dma_start3A_22 = tpu.memref_slice %arg3[%add3A, %dma_start3A_20, %dma_start3A_21] : memref<32x81x128xi32, #tpu.memory_space<hbm>> -> memref<1x81x128xi32, #tpu.memory_space<hbm>>
    %dma_start3A_23 = tpu.memref_squeeze %dma_start3A_22 : memref<1x81x128xi32, #tpu.memory_space<hbm>> -> memref<81x128xi32, #tpu.memory_space<hbm>>
    tpu.enqueue_dma source(%dma_start3A_23 : memref<81x128xi32, #tpu.memory_space<hbm>>) target(%arg7 : memref<81x128xi32, #tpu.memory_space<vmem>>) target_semaphore(%arg13 : memref<!tpu.dma_semaphore, #tpu.memory_space<semaphore_mem>>)
    %dma_start3A_24 = arith.constant 0 : i32
    %dma_start3A_25 = arith.constant 0 : i32
    %dma_start3A_26 = tpu.memref_slice %arg4[%add3A, %dma_start3A_24, %dma_start3A_25] : memref<32x81x128xi32, #tpu.memory_space<hbm>> -> memref<1x81x128xi32, #tpu.memory_space<hbm>>
    %dma_start3A_27 = tpu.memref_squeeze %dma_start3A_26 : memref<1x81x128xi32, #tpu.memory_space<hbm>> -> memref<81x128xi32, #tpu.memory_space<hbm>>
    %dma_start3A_28 = arith.constant 0 : i32
    %dma_start3A_29 = arith.constant 0 : i32
    %dma_start3A_30 = tpu.memref_slice %arg4[%add3A, %dma_start3A_28, %dma_start3A_29] : memref<32x81x128xi32, #tpu.memory_space<hbm>> -> memref<1x81x128xi32, #tpu.memory_space<hbm>>
    %dma_start3A_31 = tpu.memref_squeeze %dma_start3A_30 : memref<1x81x128xi32, #tpu.memory_space<hbm>> -> memref<81x128xi32, #tpu.memory_space<hbm>>
    tpu.enqueue_dma source(%dma_start3A_31 : memref<81x128xi32, #tpu.memory_space<hbm>>) target(%arg8 : memref<81x128xi32, #tpu.memory_space<vmem>>) target_semaphore(%arg14 : memref<!tpu.dma_semaphore, #tpu.memory_space<semaphore_mem>>)
    %dma_wait3A = arith.constant 0 : i32
    %dma_wait3A_32 = arith.constant 0 : i32
    %dma_wait3A_33 = tpu.memref_slice %arg3[%add3A, %dma_wait3A, %dma_wait3A_32] : memref<32x81x128xi32, #tpu.memory_space<hbm>> -> memref<1x81x128xi32, #tpu.memory_space<hbm>>
    %dma_wait3A_34 = tpu.memref_squeeze %dma_wait3A_33 : memref<1x81x128xi32, #tpu.memory_space<hbm>> -> memref<81x128xi32, #tpu.memory_space<hbm>>
    %dma_wait3A_35 = arith.constant 0 : i32
    %dma_wait3A_36 = arith.constant 0 : i32
    %dma_wait3A_37 = tpu.memref_slice %arg3[%add3A, %dma_wait3A_35, %dma_wait3A_36] : memref<32x81x128xi32, #tpu.memory_space<hbm>> -> memref<1x81x128xi32, #tpu.memory_space<hbm>>
    %dma_wait3A_38 = tpu.memref_squeeze %dma_wait3A_37 : memref<1x81x128xi32, #tpu.memory_space<hbm>> -> memref<81x128xi32, #tpu.memory_space<hbm>>
    tpu.wait_dma2 semaphore(%arg13 : memref<!tpu.dma_semaphore, #tpu.memory_space<semaphore_mem>>) src(%dma_wait3A_38 : memref<81x128xi32, #tpu.memory_space<hbm>>) dst(%arg7 : memref<81x128xi32, #tpu.memory_space<vmem>>)
    %dma_wait3A_39 = arith.constant 0 : i32
    %dma_wait3A_40 = arith.constant 0 : i32
    %dma_wait3A_41 = tpu.memref_slice %arg4[%add3A, %dma_wait3A_39, %dma_wait3A_40] : memref<32x81x128xi32, #tpu.memory_space<hbm>> -> memref<1x81x128xi32, #tpu.memory_space<hbm>>
    %dma_wait3A_42 = tpu.memref_squeeze %dma_wait3A_41 : memref<1x81x128xi32, #tpu.memory_space<hbm>> -> memref<81x128xi32, #tpu.memory_space<hbm>>
    %dma_wait3A_43 = arith.constant 0 : i32
    %dma_wait3A_44 = arith.constant 0 : i32
    %dma_wait3A_45 = tpu.memref_slice %arg4[%add3A, %dma_wait3A_43, %dma_wait3A_44] : memref<32x81x128xi32, #tpu.memory_space<hbm>> -> memref<1x81x128xi32, #tpu.memory_space<hbm>>
    %dma_wait3A_46 = tpu.memref_squeeze %dma_wait3A_45 : memref<1x81x128xi32, #tpu.memory_space<hbm>> -> memref<81x128xi32, #tpu.memory_space<hbm>>
    tpu.wait_dma2 semaphore(%arg14 : memref<!tpu.dma_semaphore, #tpu.memory_space<semaphore_mem>>) src(%dma_wait3A_46 : memref<81x128xi32, #tpu.memory_space<hbm>>) dst(%arg8 : memref<81x128xi32, #tpu.memory_space<vmem>>)
    %dma_wait3A_47 = arith.constant 0 : i32
    %dma_wait3A_48 = tpu.memref_slice %arg11[%mul3A_11, %dma_wait3A_47] : memref<10240x64xf32, #tpu.memory_space<vmem_shared>> -> memref<640x64xf32, #tpu.memory_space<vmem_shared>>
    %dma_wait3A_49 = arith.constant 0 : i32
    %dma_wait3A_50 = tpu.memref_slice %arg5[%mul3A_9, %dma_wait3A_49] : memref<10240x64xf32, #tpu.memory_space<hbm>> -> memref<640x64xf32, #tpu.memory_space<hbm>>
    tpu.wait_dma2 semaphore(%arg15 : memref<!tpu.dma_semaphore, #tpu.memory_space<semaphore_mem>>) src(%dma_wait3A_50 : memref<640x64xf32, #tpu.memory_space<hbm>>) dst(%dma_wait3A_48 : memref<640x64xf32, #tpu.memory_space<vmem_shared>>)
    %dma_wait3A_51 = arith.constant 0 : i32
    %dma_wait3A_52 = tpu.memref_slice %arg12[%mul3A_4, %dma_wait3A_51] : memref<10240x64xf32, #tpu.memory_space<vmem_shared>> -> memref<640x64xf32, #tpu.memory_space<vmem_shared>>
    %dma_wait3A_53 = arith.constant 0 : i32
    %dma_wait3A_54 = tpu.memref_slice %arg2[%mul3A_2, %dma_wait3A_53] : memref<10240x64xf32, #tpu.memory_space<hbm>> -> memref<640x64xf32, #tpu.memory_space<hbm>>
    tpu.wait_dma2 semaphore(%arg17 : memref<!tpu.dma_semaphore, #tpu.memory_space<semaphore_mem>>) src(%dma_wait3A_54 : memref<640x64xf32, #tpu.memory_space<hbm>>) dst(%dma_wait3A_52 : memref<640x64xf32, #tpu.memory_space<vmem_shared>>)
    %barrier3A = arith.constant 0 : index
    tpu.barrier barrier_id(%barrier3A)
    %dma_start3A_55 = arith.constant 0 : i32
    %dma_start3A_56 = arith.constant 0 : i32
    %dma_start3A_57 = tpu.memref_slice %arg7[%dma_start3A_55, %dma_start3A_56] : memref<81x128xi32, #tpu.memory_space<vmem>> -> memref<1x128xi32, #tpu.memory_space<vmem>>
    %dma_start3A_58 = tpu.memref_squeeze %dma_start3A_57 : memref<1x128xi32, #tpu.memory_space<vmem>> -> memref<128xi32, #tpu.memory_space<vmem>>
    %dma_start3A_59 = arith.constant 0 : i32
    %dma_start3A_60 = arith.constant 0 : i32
    %dma_start3A_61 = tpu.memref_slice %arg12[%dma_start3A_59, %dma_start3A_60] : memref<10240x64xf32, #tpu.memory_space<vmem_shared>> -> memref<10240x64xf32, #tpu.memory_space<vmem_shared>>
    tpu.enqueue_indirect_dma source(%dma_start3A_61 : memref<10240x64xf32, #tpu.memory_space<vmem_shared>>) target(%arg9 : memref<128x64xf32, #tpu.memory_space<vmem>>) offsets(%dma_start3A_58 : memref<128xi32, #tpu.memory_space<vmem>>) semaphore(%arg13 : memref<!tpu.dma_semaphore, #tpu.memory_space<semaphore_mem>>)
    %dma_start3A_62 = arith.constant 1 : i32
    %dma_start3A_63 = arith.constant 0 : i32
    %dma_start3A_64 = tpu.memref_slice %arg7[%dma_start3A_62, %dma_start3A_63] : memref<81x128xi32, #tpu.memory_space<vmem>> -> memref<1x128xi32, #tpu.memory_space<vmem>>
    %dma_start3A_65 = tpu.memref_squeeze %dma_start3A_64 : memref<1x128xi32, #tpu.memory_space<vmem>> -> memref<128xi32, #tpu.memory_space<vmem>>
    %dma_start3A_66 = arith.constant 0 : i32
    %dma_start3A_67 = arith.constant 0 : i32
    %dma_start3A_68 = tpu.memref_slice %arg12[%dma_start3A_66, %dma_start3A_67] : memref<10240x64xf32, #tpu.memory_space<vmem_shared>> -> memref<10240x64xf32, #tpu.memory_space<vmem_shared>>
    tpu.enqueue_indirect_dma source(%dma_start3A_68 : memref<10240x64xf32, #tpu.memory_space<vmem_shared>>) target(%arg10 : memref<128x64xf32, #tpu.memory_space<vmem>>) offsets(%dma_start3A_65 : memref<128xi32, #tpu.memory_space<vmem>>) semaphore(%arg14 : memref<!tpu.dma_semaphore, #tpu.memory_space<semaphore_mem>>)
    %dma_wait3A_69 = arith.constant 0 : i32
    %dma_wait3A_70 = arith.constant 0 : i32
    %dma_wait3A_71 = tpu.memref_slice %arg7[%dma_wait3A_69, %dma_wait3A_70] : memref<81x128xi32, #tpu.memory_space<vmem>> -> memref<1x128xi32, #tpu.memory_space<vmem>>
    %dma_wait3A_72 = tpu.memref_squeeze %dma_wait3A_71 : memref<1x128xi32, #tpu.memory_space<vmem>> -> memref<128xi32, #tpu.memory_space<vmem>>
    %dma_wait3A_73 = arith.constant 0 : i32
    %dma_wait3A_74 = arith.constant 0 : i32
    %dma_wait3A_75 = tpu.memref_slice %arg12[%dma_wait3A_73, %dma_wait3A_74] : memref<10240x64xf32, #tpu.memory_space<vmem_shared>> -> memref<10240x64xf32, #tpu.memory_space<vmem_shared>>
    tpu.wait_indirect_dma semaphore(%arg13 : memref<!tpu.dma_semaphore, #tpu.memory_space<semaphore_mem>>) src(%dma_wait3A_75 : memref<10240x64xf32, #tpu.memory_space<vmem_shared>>) dst(%arg9 : memref<128x64xf32, #tpu.memory_space<vmem>>)
    %dma_start3A_76 = arith.constant 0 : i32
    %dma_start3A_77 = arith.constant 0 : i32
    %dma_start3A_78 = tpu.memref_slice %arg8[%dma_start3A_76, %dma_start3A_77] : memref<81x128xi32, #tpu.memory_space<vmem>> -> memref<1x128xi32, #tpu.memory_space<vmem>>
    %dma_start3A_79 = tpu.memref_squeeze %dma_start3A_78 : memref<1x128xi32, #tpu.memory_space<vmem>> -> memref<128xi32, #tpu.memory_space<vmem>>
    %dma_start3A_80 = arith.constant 0 : i32
    %dma_start3A_81 = arith.constant 0 : i32
    %dma_start3A_82 = tpu.memref_slice %arg11[%dma_start3A_80, %dma_start3A_81] : memref<10240x64xf32, #tpu.memory_space<vmem_shared>> -> memref<10240x64xf32, #tpu.memory_space<vmem_shared>>
    tpu.enqueue_indirect_dma source(%arg9 : memref<128x64xf32, #tpu.memory_space<vmem>>) target(%dma_start3A_82 : memref<10240x64xf32, #tpu.memory_space<vmem_shared>>) offsets(%dma_start3A_79 : memref<128xi32, #tpu.memory_space<vmem>>) semaphore(%arg15 : memref<!tpu.dma_semaphore, #tpu.memory_space<semaphore_mem>>) {add = true}
    %dma_wait3A_83 = arith.constant 1 : i32
    %dma_wait3A_84 = arith.constant 0 : i32
    %dma_wait3A_85 = tpu.memref_slice %arg7[%dma_wait3A_83, %dma_wait3A_84] : memref<81x128xi32, #tpu.memory_space<vmem>> -> memref<1x128xi32, #tpu.memory_space<vmem>>
    %dma_wait3A_86 = tpu.memref_squeeze %dma_wait3A_85 : memref<1x128xi32, #tpu.memory_space<vmem>> -> memref<128xi32, #tpu.memory_space<vmem>>
    %dma_wait3A_87 = arith.constant 0 : i32
    %dma_wait3A_88 = arith.constant 0 : i32
    %dma_wait3A_89 = tpu.memref_slice %arg12[%dma_wait3A_87, %dma_wait3A_88] : memref<10240x64xf32, #tpu.memory_space<vmem_shared>> -> memref<10240x64xf32, #tpu.memory_space<vmem_shared>>
    tpu.wait_indirect_dma semaphore(%arg14 : memref<!tpu.dma_semaphore, #tpu.memory_space<semaphore_mem>>) src(%dma_wait3A_89 : memref<10240x64xf32, #tpu.memory_space<vmem_shared>>) dst(%arg10 : memref<128x64xf32, #tpu.memory_space<vmem>>)
    %dma_start3A_90 = arith.constant 1 : i32
    %dma_start3A_91 = arith.constant 0 : i32
    %dma_start3A_92 = tpu.memref_slice %arg8[%dma_start3A_90, %dma_start3A_91] : memref<81x128xi32, #tpu.memory_space<vmem>> -> memref<1x128xi32, #tpu.memory_space<vmem>>
    %dma_start3A_93 = tpu.memref_squeeze %dma_start3A_92 : memref<1x128xi32, #tpu.memory_space<vmem>> -> memref<128xi32, #tpu.memory_space<vmem>>
    %dma_start3A_94 = arith.constant 0 : i32
    %dma_start3A_95 = arith.constant 0 : i32
    %dma_start3A_96 = tpu.memref_slice %arg11[%dma_start3A_94, %dma_start3A_95] : memref<10240x64xf32, #tpu.memory_space<vmem_shared>> -> memref<10240x64xf32, #tpu.memory_space<vmem_shared>>
    tpu.enqueue_indirect_dma source(%arg10 : memref<128x64xf32, #tpu.memory_space<vmem>>) target(%dma_start3A_96 : memref<10240x64xf32, #tpu.memory_space<vmem_shared>>) offsets(%dma_start3A_93 : memref<128xi32, #tpu.memory_space<vmem>>) semaphore(%arg16 : memref<!tpu.dma_semaphore, #tpu.memory_space<semaphore_mem>>) {add = true}
    %scan3A = arith.constant 0 : i32
    %scan3A_97 = arith.constant 1 : i32
    %scan3A_98 = arith.constant 39 : i32
    %scan3A_99 = arith.addi %scan3A_97, %scan3A_98 : i32
    %scan3A_100 = arith.constant 1 : i32
    scf.for %scan3A_149 = %scan3A_97 to %scan3A_99 step %scan3A_100  : i32 {
      %mul3A_150 = arith.constant 2 : i32
      %mul3A_151 = arith.muli %mul3A_150, %scan3A_149 : i32
      %add3A_152 = arith.constant 1 : i32
      %add3A_153 = arith.addi %mul3A_151, %add3A_152 : i32
      %dma_wait3A_154 = arith.constant 0 : i32
      %dma_wait3A_155 = tpu.memref_slice %arg8[%mul3A_151, %dma_wait3A_154] : memref<81x128xi32, #tpu.memory_space<vmem>> -> memref<1x128xi32, #tpu.memory_space<vmem>>
      %dma_wait3A_156 = tpu.memref_squeeze %dma_wait3A_155 : memref<1x128xi32, #tpu.memory_space<vmem>> -> memref<128xi32, #tpu.memory_space<vmem>>
      %dma_wait3A_157 = arith.constant 0 : i32
      %dma_wait3A_158 = arith.constant 0 : i32
      %dma_wait3A_159 = tpu.memref_slice %arg11[%dma_wait3A_157, %dma_wait3A_158] : memref<10240x64xf32, #tpu.memory_space<vmem_shared>> -> memref<10240x64xf32, #tpu.memory_space<vmem_shared>>
      tpu.wait_indirect_dma semaphore(%arg15 : memref<!tpu.dma_semaphore, #tpu.memory_space<semaphore_mem>>) src(%arg9 : memref<128x64xf32, #tpu.memory_space<vmem>>) dst(%dma_wait3A_159 : memref<10240x64xf32, #tpu.memory_space<vmem_shared>>)
      %dma_start3A_160 = arith.constant 0 : i32
      %dma_start3A_161 = tpu.memref_slice %arg7[%mul3A_151, %dma_start3A_160] : memref<81x128xi32, #tpu.memory_space<vmem>> -> memref<1x128xi32, #tpu.memory_space<vmem>>
      %dma_start3A_162 = tpu.memref_squeeze %dma_start3A_161 : memref<1x128xi32, #tpu.memory_space<vmem>> -> memref<128xi32, #tpu.memory_space<vmem>>
      %dma_start3A_163 = arith.constant 0 : i32
      %dma_start3A_164 = arith.constant 0 : i32
      %dma_start3A_165 = tpu.memref_slice %arg12[%dma_start3A_163, %dma_start3A_164] : memref<10240x64xf32, #tpu.memory_space<vmem_shared>> -> memref<10240x64xf32, #tpu.memory_space<vmem_shared>>
      tpu.enqueue_indirect_dma source(%dma_start3A_165 : memref<10240x64xf32, #tpu.memory_space<vmem_shared>>) target(%arg9 : memref<128x64xf32, #tpu.memory_space<vmem>>) offsets(%dma_start3A_162 : memref<128xi32, #tpu.memory_space<vmem>>) semaphore(%arg13 : memref<!tpu.dma_semaphore, #tpu.memory_space<semaphore_mem>>)
      %dma_wait3A_166 = arith.constant 0 : i32
      %dma_wait3A_167 = tpu.memref_slice %arg8[%add3A_153, %dma_wait3A_166] : memref<81x128xi32, #tpu.memory_space<vmem>> -> memref<1x128xi32, #tpu.memory_space<vmem>>
      %dma_wait3A_168 = tpu.memref_squeeze %dma_wait3A_167 : memref<1x128xi32, #tpu.memory_space<vmem>> -> memref<128xi32, #tpu.memory_space<vmem>>
      %dma_wait3A_169 = arith.constant 0 : i32
      %dma_wait3A_170 = arith.constant 0 : i32
      %dma_wait3A_171 = tpu.memref_slice %arg11[%dma_wait3A_169, %dma_wait3A_170] : memref<10240x64xf32, #tpu.memory_space<vmem_shared>> -> memref<10240x64xf32, #tpu.memory_space<vmem_shared>>
      tpu.wait_indirect_dma semaphore(%arg16 : memref<!tpu.dma_semaphore, #tpu.memory_space<semaphore_mem>>) src(%arg10 : memref<128x64xf32, #tpu.memory_space<vmem>>) dst(%dma_wait3A_171 : memref<10240x64xf32, #tpu.memory_space<vmem_shared>>)
      %dma_start3A_172 = arith.constant 0 : i32
      %dma_start3A_173 = tpu.memref_slice %arg7[%add3A_153, %dma_start3A_172] : memref<81x128xi32, #tpu.memory_space<vmem>> -> memref<1x128xi32, #tpu.memory_space<vmem>>
      %dma_start3A_174 = tpu.memref_squeeze %dma_start3A_173 : memref<1x128xi32, #tpu.memory_space<vmem>> -> memref<128xi32, #tpu.memory_space<vmem>>
      %dma_start3A_175 = arith.constant 0 : i32
      %dma_start3A_176 = arith.constant 0 : i32
      %dma_start3A_177 = tpu.memref_slice %arg12[%dma_start3A_175, %dma_start3A_176] : memref<10240x64xf32, #tpu.memory_space<vmem_shared>> -> memref<10240x64xf32, #tpu.memory_space<vmem_shared>>
      tpu.enqueue_indirect_dma source(%dma_start3A_177 : memref<10240x64xf32, #tpu.memory_space<vmem_shared>>) target(%arg10 : memref<128x64xf32, #tpu.memory_space<vmem>>) offsets(%dma_start3A_174 : memref<128xi32, #tpu.memory_space<vmem>>) semaphore(%arg14 : memref<!tpu.dma_semaphore, #tpu.memory_space<semaphore_mem>>)
      %dma_wait3A_178 = arith.constant 0 : i32
      %dma_wait3A_179 = tpu.memref_slice %arg7[%mul3A_151, %dma_wait3A_178] : memref<81x128xi32, #tpu.memory_space<vmem>> -> memref<1x128xi32, #tpu.memory_space<vmem>>
      %dma_wait3A_180 = tpu.memref_squeeze %dma_wait3A_179 : memref<1x128xi32, #tpu.memory_space<vmem>> -> memref<128xi32, #tpu.memory_space<vmem>>
      %dma_wait3A_181 = arith.constant 0 : i32
      %dma_wait3A_182 = arith.constant 0 : i32
      %dma_wait3A_183 = tpu.memref_slice %arg12[%dma_wait3A_181, %dma_wait3A_182] : memref<10240x64xf32, #tpu.memory_space<vmem_shared>> -> memref<10240x64xf32, #tpu.memory_space<vmem_shared>>
      tpu.wait_indirect_dma semaphore(%arg13 : memref<!tpu.dma_semaphore, #tpu.memory_space<semaphore_mem>>) src(%dma_wait3A_183 : memref<10240x64xf32, #tpu.memory_space<vmem_shared>>) dst(%arg9 : memref<128x64xf32, #tpu.memory_space<vmem>>)
      %dma_start3A_184 = arith.constant 0 : i32
      %dma_start3A_185 = tpu.memref_slice %arg8[%mul3A_151, %dma_start3A_184] : memref<81x128xi32, #tpu.memory_space<vmem>> -> memref<1x128xi32, #tpu.memory_space<vmem>>
      %dma_start3A_186 = tpu.memref_squeeze %dma_start3A_185 : memref<1x128xi32, #tpu.memory_space<vmem>> -> memref<128xi32, #tpu.memory_space<vmem>>
      %dma_start3A_187 = arith.constant 0 : i32
      %dma_start3A_188 = arith.constant 0 : i32
      %dma_start3A_189 = tpu.memref_slice %arg11[%dma_start3A_187, %dma_start3A_188] : memref<10240x64xf32, #tpu.memory_space<vmem_shared>> -> memref<10240x64xf32, #tpu.memory_space<vmem_shared>>
      tpu.enqueue_indirect_dma source(%arg9 : memref<128x64xf32, #tpu.memory_space<vmem>>) target(%dma_start3A_189 : memref<10240x64xf32, #tpu.memory_space<vmem_shared>>) offsets(%dma_start3A_186 : memref<128xi32, #tpu.memory_space<vmem>>) semaphore(%arg15 : memref<!tpu.dma_semaphore, #tpu.memory_space<semaphore_mem>>) {add = true}
      %dma_wait3A_190 = arith.constant 0 : i32
      %dma_wait3A_191 = tpu.memref_slice %arg7[%add3A_153, %dma_wait3A_190] : memref<81x128xi32, #tpu.memory_space<vmem>> -> memref<1x128xi32, #tpu.memory_space<vmem>>
      %dma_wait3A_192 = tpu.memref_squeeze %dma_wait3A_191 : memref<1x128xi32, #tpu.memory_space<vmem>> -> memref<128xi32, #tpu.memory_space<vmem>>
      %dma_wait3A_193 = arith.constant 0 : i32
      %dma_wait3A_194 = arith.constant 0 : i32
      %dma_wait3A_195 = tpu.memref_slice %arg12[%dma_wait3A_193, %dma_wait3A_194] : memref<10240x64xf32, #tpu.memory_space<vmem_shared>> -> memref<10240x64xf32, #tpu.memory_space<vmem_shared>>
      tpu.wait_indirect_dma semaphore(%arg14 : memref<!tpu.dma_semaphore, #tpu.memory_space<semaphore_mem>>) src(%dma_wait3A_195 : memref<10240x64xf32, #tpu.memory_space<vmem_shared>>) dst(%arg10 : memref<128x64xf32, #tpu.memory_space<vmem>>)
      %dma_start3A_196 = arith.constant 0 : i32
      %dma_start3A_197 = tpu.memref_slice %arg8[%add3A_153, %dma_start3A_196] : memref<81x128xi32, #tpu.memory_space<vmem>> -> memref<1x128xi32, #tpu.memory_space<vmem>>
      %dma_start3A_198 = tpu.memref_squeeze %dma_start3A_197 : memref<1x128xi32, #tpu.memory_space<vmem>> -> memref<128xi32, #tpu.memory_space<vmem>>
      %dma_start3A_199 = arith.constant 0 : i32
      %dma_start3A_200 = arith.constant 0 : i32
      %dma_start3A_201 = tpu.memref_slice %arg11[%dma_start3A_199, %dma_start3A_200] : memref<10240x64xf32, #tpu.memory_space<vmem_shared>> -> memref<10240x64xf32, #tpu.memory_space<vmem_shared>>
      tpu.enqueue_indirect_dma source(%arg10 : memref<128x64xf32, #tpu.memory_space<vmem>>) target(%dma_start3A_201 : memref<10240x64xf32, #tpu.memory_space<vmem_shared>>) offsets(%dma_start3A_198 : memref<128xi32, #tpu.memory_space<vmem>>) semaphore(%arg16 : memref<!tpu.dma_semaphore, #tpu.memory_space<semaphore_mem>>) {add = true}
    }
    %scan3A_101 = arith.constant 39 : i32
    %dma_wait3A_102 = arith.constant 78 : i32
    %dma_wait3A_103 = arith.constant 0 : i32
    %dma_wait3A_104 = tpu.memref_slice %arg8[%dma_wait3A_102, %dma_wait3A_103] : memref<81x128xi32, #tpu.memory_space<vmem>> -> memref<1x128xi32, #tpu.memory_space<vmem>>
    %dma_wait3A_105 = tpu.memref_squeeze %dma_wait3A_104 : memref<1x128xi32, #tpu.memory_space<vmem>> -> memref<128xi32, #tpu.memory_space<vmem>>
    %dma_wait3A_106 = arith.constant 0 : i32
    %dma_wait3A_107 = arith.constant 0 : i32
    %dma_wait3A_108 = tpu.memref_slice %arg11[%dma_wait3A_106, %dma_wait3A_107] : memref<10240x64xf32, #tpu.memory_space<vmem_shared>> -> memref<10240x64xf32, #tpu.memory_space<vmem_shared>>
    tpu.wait_indirect_dma semaphore(%arg15 : memref<!tpu.dma_semaphore, #tpu.memory_space<semaphore_mem>>) src(%arg9 : memref<128x64xf32, #tpu.memory_space<vmem>>) dst(%dma_wait3A_108 : memref<10240x64xf32, #tpu.memory_space<vmem_shared>>)
    %dma_start3A_109 = arith.constant 80 : i32
    %dma_start3A_110 = arith.constant 0 : i32
    %dma_start3A_111 = tpu.memref_slice %arg7[%dma_start3A_109, %dma_start3A_110] : memref<81x128xi32, #tpu.memory_space<vmem>> -> memref<1x128xi32, #tpu.memory_space<vmem>>
    %dma_start3A_112 = tpu.memref_squeeze %dma_start3A_111 : memref<1x128xi32, #tpu.memory_space<vmem>> -> memref<128xi32, #tpu.memory_space<vmem>>
    %dma_start3A_113 = arith.constant 0 : i32
    %dma_start3A_114 = arith.constant 0 : i32
    %dma_start3A_115 = tpu.memref_slice %arg12[%dma_start3A_113, %dma_start3A_114] : memref<10240x64xf32, #tpu.memory_space<vmem_shared>> -> memref<10240x64xf32, #tpu.memory_space<vmem_shared>>
    tpu.enqueue_indirect_dma source(%dma_start3A_115 : memref<10240x64xf32, #tpu.memory_space<vmem_shared>>) target(%arg9 : memref<128x64xf32, #tpu.memory_space<vmem>>) offsets(%dma_start3A_112 : memref<128xi32, #tpu.memory_space<vmem>>) semaphore(%arg13 : memref<!tpu.dma_semaphore, #tpu.memory_space<semaphore_mem>>)
    %dma_wait3A_116 = arith.constant 80 : i32
    %dma_wait3A_117 = arith.constant 0 : i32
    %dma_wait3A_118 = tpu.memref_slice %arg7[%dma_wait3A_116, %dma_wait3A_117] : memref<81x128xi32, #tpu.memory_space<vmem>> -> memref<1x128xi32, #tpu.memory_space<vmem>>
    %dma_wait3A_119 = tpu.memref_squeeze %dma_wait3A_118 : memref<1x128xi32, #tpu.memory_space<vmem>> -> memref<128xi32, #tpu.memory_space<vmem>>
    %dma_wait3A_120 = arith.constant 0 : i32
    %dma_wait3A_121 = arith.constant 0 : i32
    %dma_wait3A_122 = tpu.memref_slice %arg12[%dma_wait3A_120, %dma_wait3A_121] : memref<10240x64xf32, #tpu.memory_space<vmem_shared>> -> memref<10240x64xf32, #tpu.memory_space<vmem_shared>>
    tpu.wait_indirect_dma semaphore(%arg13 : memref<!tpu.dma_semaphore, #tpu.memory_space<semaphore_mem>>) src(%dma_wait3A_122 : memref<10240x64xf32, #tpu.memory_space<vmem_shared>>) dst(%arg9 : memref<128x64xf32, #tpu.memory_space<vmem>>)
    %dma_start3A_123 = arith.constant 80 : i32
    %dma_start3A_124 = arith.constant 0 : i32
    %dma_start3A_125 = tpu.memref_slice %arg8[%dma_start3A_123, %dma_start3A_124] : memref<81x128xi32, #tpu.memory_space<vmem>> -> memref<1x128xi32, #tpu.memory_space<vmem>>
    %dma_start3A_126 = tpu.memref_squeeze %dma_start3A_125 : memref<1x128xi32, #tpu.memory_space<vmem>> -> memref<128xi32, #tpu.memory_space<vmem>>
    %dma_start3A_127 = arith.constant 0 : i32
    %dma_start3A_128 = arith.constant 0 : i32
    %dma_start3A_129 = tpu.memref_slice %arg11[%dma_start3A_127, %dma_start3A_128] : memref<10240x64xf32, #tpu.memory_space<vmem_shared>> -> memref<10240x64xf32, #tpu.memory_space<vmem_shared>>
    tpu.enqueue_indirect_dma source(%arg9 : memref<128x64xf32, #tpu.memory_space<vmem>>) target(%dma_start3A_129 : memref<10240x64xf32, #tpu.memory_space<vmem_shared>>) offsets(%dma_start3A_126 : memref<128xi32, #tpu.memory_space<vmem>>) semaphore(%arg15 : memref<!tpu.dma_semaphore, #tpu.memory_space<semaphore_mem>>) {add = true}
    %dma_wait3A_130 = arith.constant 80 : i32
    %dma_wait3A_131 = arith.constant 0 : i32
    %dma_wait3A_132 = tpu.memref_slice %arg8[%dma_wait3A_130, %dma_wait3A_131] : memref<81x128xi32, #tpu.memory_space<vmem>> -> memref<1x128xi32, #tpu.memory_space<vmem>>
    %dma_wait3A_133 = tpu.memref_squeeze %dma_wait3A_132 : memref<1x128xi32, #tpu.memory_space<vmem>> -> memref<128xi32, #tpu.memory_space<vmem>>
    %dma_wait3A_134 = arith.constant 0 : i32
    %dma_wait3A_135 = arith.constant 0 : i32
    %dma_wait3A_136 = tpu.memref_slice %arg11[%dma_wait3A_134, %dma_wait3A_135] : memref<10240x64xf32, #tpu.memory_space<vmem_shared>> -> memref<10240x64xf32, #tpu.memory_space<vmem_shared>>
    tpu.wait_indirect_dma semaphore(%arg15 : memref<!tpu.dma_semaphore, #tpu.memory_space<semaphore_mem>>) src(%arg9 : memref<128x64xf32, #tpu.memory_space<vmem>>) dst(%dma_wait3A_136 : memref<10240x64xf32, #tpu.memory_space<vmem_shared>>)
    %dma_wait3A_137 = arith.constant 79 : i32
    %dma_wait3A_138 = arith.constant 0 : i32
    %dma_wait3A_139 = tpu.memref_slice %arg8[%dma_wait3A_137, %dma_wait3A_138] : memref<81x128xi32, #tpu.memory_space<vmem>> -> memref<1x128xi32, #tpu.memory_space<vmem>>
    %dma_wait3A_140 = tpu.memref_squeeze %dma_wait3A_139 : memref<1x128xi32, #tpu.memory_space<vmem>> -> memref<128xi32, #tpu.memory_space<vmem>>
    %dma_wait3A_141 = arith.constant 0 : i32
    %dma_wait3A_142 = arith.constant 0 : i32
    %dma_wait3A_143 = tpu.memref_slice %arg11[%dma_wait3A_141, %dma_wait3A_142] : memref<10240x64xf32, #tpu.memory_space<vmem_shared>> -> memref<10240x64xf32, #tpu.memory_space<vmem_shared>>
    tpu.wait_indirect_dma semaphore(%arg16 : memref<!tpu.dma_semaphore, #tpu.memory_space<semaphore_mem>>) src(%arg10 : memref<128x64xf32, #tpu.memory_space<vmem>>) dst(%dma_wait3A_143 : memref<10240x64xf32, #tpu.memory_space<vmem_shared>>)
    %barrier3A_144 = arith.constant 0 : index
    tpu.barrier barrier_id(%barrier3A_144)
    %mul3A_145 = arith.constant 640 : i32
    %mul3A_146 = arith.muli %arg1, %mul3A_145 : i32
    %mul3A_147 = arith.constant 640 : i32
    %mul3A_148 = arith.muli %arg1, %mul3A_147 : i32
    "tpu.region"() ({
      %run_scoped3A = tpu.sem_alloc : memref<!tpu.dma_semaphore, #tpu.memory_space<semaphore_mem>>
      %dma_start3A_149 = arith.constant 0 : i32
      %dma_start3A_150 = tpu.memref_slice %arg6[%arg0, %mul3A_148, %dma_start3A_149] : memref<2x10240x64xf32, #tpu.memory_space<hbm>> -> memref<1x640x64xf32, #tpu.memory_space<hbm>>
      %dma_start3A_151 = tpu.memref_squeeze %dma_start3A_150 : memref<1x640x64xf32, #tpu.memory_space<hbm>> -> memref<640x64xf32, #tpu.memory_space<hbm>>
      %dma_start3A_152 = arith.constant 0 : i32
      %dma_start3A_153 = tpu.memref_slice %arg11[%mul3A_146, %dma_start3A_152] : memref<10240x64xf32, #tpu.memory_space<vmem_shared>> -> memref<640x64xf32, #tpu.memory_space<vmem_shared>>
      tpu.enqueue_dma source(%dma_start3A_153 : memref<640x64xf32, #tpu.memory_space<vmem_shared>>) target(%dma_start3A_151 : memref<640x64xf32, #tpu.memory_space<hbm>>) target_semaphore(%run_scoped3A : memref<!tpu.dma_semaphore, #tpu.memory_space<semaphore_mem>>)
      %dma_wait3A_154 = arith.constant 0 : i32
      %dma_wait3A_155 = tpu.memref_slice %arg6[%arg0, %mul3A_148, %dma_wait3A_154] : memref<2x10240x64xf32, #tpu.memory_space<hbm>> -> memref<1x640x64xf32, #tpu.memory_space<hbm>>
      %dma_wait3A_156 = tpu.memref_squeeze %dma_wait3A_155 : memref<1x640x64xf32, #tpu.memory_space<hbm>> -> memref<640x64xf32, #tpu.memory_space<hbm>>
      %dma_wait3A_157 = arith.constant 0 : i32
      %dma_wait3A_158 = tpu.memref_slice %arg11[%mul3A_146, %dma_wait3A_157] : memref<10240x64xf32, #tpu.memory_space<vmem_shared>> -> memref<640x64xf32, #tpu.memory_space<vmem_shared>>
      tpu.wait_dma2 semaphore(%run_scoped3A : memref<!tpu.dma_semaphore, #tpu.memory_space<semaphore_mem>>) src(%dma_wait3A_158 : memref<640x64xf32, #tpu.memory_space<vmem_shared>>) dst(%dma_wait3A_156 : memref<640x64xf32, #tpu.memory_space<hbm>>)
      tpu.yield
    }) : () -> ()
    return
  }
}

#map = affine_map<(d0, d1) -> (0, 0)>
#map1 = affine_map<(d0, d1) -> (0, 0, 0)>
module attributes {stable_mosaic.version = 14 : i64} {
  func.func @_sc_aggregate(%arg0: i32, %arg1: i32, %arg2: memref<10240x64xf32, #tpu.memory_space<hbm>>, %arg3: memref<32x81x128xi32, #tpu.memory_space<hbm>>, %arg4: memref<32x81x128xi32, #tpu.memory_space<hbm>>, %arg5: memref<10240x64xf32, #tpu.memory_space<hbm>>, %arg6: memref<2x10240x64xf32, #tpu.memory_space<hbm>>, %arg7: memref<81x128xi32, #tpu.memory_space<vmem>>, %arg8: memref<81x128xi32, #tpu.memory_space<vmem>>, %arg9: memref<128x64xf32, #tpu.memory_space<vmem>>, %arg10: memref<128x64xf32, #tpu.memory_space<vmem>>, %arg11: memref<10240x64xf32, #tpu.memory_space<vmem_shared>>, %arg12: memref<10240x64xf32, #tpu.memory_space<vmem_shared>>, %arg13: memref<!tpu.dma_semaphore, #tpu.memory_space<semaphore_mem>>, %arg14: memref<!tpu.dma_semaphore, #tpu.memory_space<semaphore_mem>>, %arg15: memref<!tpu.dma_semaphore, #tpu.memory_space<semaphore_mem>>, %arg16: memref<!tpu.dma_semaphore, #tpu.memory_space<semaphore_mem>>, %arg17: memref<!tpu.dma_semaphore, #tpu.memory_space<semaphore_mem>>) attributes {dimension_semantics = [#tpu.dimension_semantics<core_parallel>, #tpu.dimension_semantics<subcore_parallel>], iteration_bounds = array<i64: 2, 16>, scalar_prefetch = 0 : i64, scratch_operands = 11 : i64, tpu.core_type = #tpu.core_type<sc_vector_subcore>, window_params = [{transform_indices = #map}, {transform_indices = #map1}, {transform_indices = #map1}, {transform_indices = #map}, {transform_indices = #map1}]} {
    %mul3A = arith.constant 16 : i32
    %mul3A_0 = arith.muli %arg0, %mul3A : i32
    %add3A = arith.addi %mul3A_0, %arg1 : i32
    %mul3A_1 = arith.constant 640 : i32
    %mul3A_2 = arith.muli %arg1, %mul3A_1 : i32
    %mul3A_3 = arith.constant 640 : i32
    %mul3A_4 = arith.muli %arg1, %mul3A_3 : i32
    %dma_start3A = arith.constant 0 : i32
    %dma_start3A_5 = tpu.memref_slice %arg12[%mul3A_4, %dma_start3A] : memref<10240x64xf32, #tpu.memory_space<vmem_shared>> -> memref<640x64xf32, #tpu.memory_space<vmem_shared>>
    %dma_start3A_6 = arith.constant 0 : i32
    %dma_start3A_7 = tpu.memref_slice %arg2[%mul3A_2, %dma_start3A_6] : memref<10240x64xf32, #tpu.memory_space<hbm>> -> memref<640x64xf32, #tpu.memory_space<hbm>>
    tpu.enqueue_dma source(%dma_start3A_7 : memref<640x64xf32, #tpu.memory_space<hbm>>) target(%dma_start3A_5 : memref<640x64xf32, #tpu.memory_space<vmem_shared>>) target_semaphore(%arg17 : memref<!tpu.dma_semaphore, #tpu.memory_space<semaphore_mem>>)
    %mul3A_8 = arith.constant 640 : i32
    %mul3A_9 = arith.muli %arg1, %mul3A_8 : i32
    %mul3A_10 = arith.constant 640 : i32
    %mul3A_11 = arith.muli %arg1, %mul3A_10 : i32
    %dma_start3A_12 = arith.constant 0 : i32
    %dma_start3A_13 = tpu.memref_slice %arg11[%mul3A_11, %dma_start3A_12] : memref<10240x64xf32, #tpu.memory_space<vmem_shared>> -> memref<640x64xf32, #tpu.memory_space<vmem_shared>>
    %dma_start3A_14 = arith.constant 0 : i32
    %dma_start3A_15 = tpu.memref_slice %arg5[%mul3A_9, %dma_start3A_14] : memref<10240x64xf32, #tpu.memory_space<hbm>> -> memref<640x64xf32, #tpu.memory_space<hbm>>
    tpu.enqueue_dma source(%dma_start3A_15 : memref<640x64xf32, #tpu.memory_space<hbm>>) target(%dma_start3A_13 : memref<640x64xf32, #tpu.memory_space<vmem_shared>>) target_semaphore(%arg15 : memref<!tpu.dma_semaphore, #tpu.memory_space<semaphore_mem>>)
    %dma_start3A_16 = arith.constant 0 : i32
    %dma_start3A_17 = arith.constant 0 : i32
    %dma_start3A_18 = tpu.memref_slice %arg3[%add3A, %dma_start3A_16, %dma_start3A_17] : memref<32x81x128xi32, #tpu.memory_space<hbm>> -> memref<1x81x128xi32, #tpu.memory_space<hbm>>
    %dma_start3A_19 = tpu.memref_squeeze %dma_start3A_18 : memref<1x81x128xi32, #tpu.memory_space<hbm>> -> memref<81x128xi32, #tpu.memory_space<hbm>>
    %dma_start3A_20 = arith.constant 0 : i32
    %dma_start3A_21 = arith.constant 0 : i32
    %dma_start3A_22 = tpu.memref_slice %arg3[%add3A, %dma_start3A_20, %dma_start3A_21] : memref<32x81x128xi32, #tpu.memory_space<hbm>> -> memref<1x81x128xi32, #tpu.memory_space<hbm>>
    %dma_start3A_23 = tpu.memref_squeeze %dma_start3A_22 : memref<1x81x128xi32, #tpu.memory_space<hbm>> -> memref<81x128xi32, #tpu.memory_space<hbm>>
    tpu.enqueue_dma source(%dma_start3A_23 : memref<81x128xi32, #tpu.memory_space<hbm>>) target(%arg7 : memref<81x128xi32, #tpu.memory_space<vmem>>) target_semaphore(%arg13 : memref<!tpu.dma_semaphore, #tpu.memory_space<semaphore_mem>>)
    %dma_start3A_24 = arith.constant 0 : i32
    %dma_start3A_25 = arith.constant 0 : i32
    %dma_start3A_26 = tpu.memref_slice %arg4[%add3A, %dma_start3A_24, %dma_start3A_25] : memref<32x81x128xi32, #tpu.memory_space<hbm>> -> memref<1x81x128xi32, #tpu.memory_space<hbm>>
    %dma_start3A_27 = tpu.memref_squeeze %dma_start3A_26 : memref<1x81x128xi32, #tpu.memory_space<hbm>> -> memref<81x128xi32, #tpu.memory_space<hbm>>
    %dma_start3A_28 = arith.constant 0 : i32
    %dma_start3A_29 = arith.constant 0 : i32
    %dma_start3A_30 = tpu.memref_slice %arg4[%add3A, %dma_start3A_28, %dma_start3A_29] : memref<32x81x128xi32, #tpu.memory_space<hbm>> -> memref<1x81x128xi32, #tpu.memory_space<hbm>>
    %dma_start3A_31 = tpu.memref_squeeze %dma_start3A_30 : memref<1x81x128xi32, #tpu.memory_space<hbm>> -> memref<81x128xi32, #tpu.memory_space<hbm>>
    tpu.enqueue_dma source(%dma_start3A_31 : memref<81x128xi32, #tpu.memory_space<hbm>>) target(%arg8 : memref<81x128xi32, #tpu.memory_space<vmem>>) target_semaphore(%arg14 : memref<!tpu.dma_semaphore, #tpu.memory_space<semaphore_mem>>)
    %dma_wait3A = arith.constant 0 : i32
    %dma_wait3A_32 = arith.constant 0 : i32
    %dma_wait3A_33 = tpu.memref_slice %arg3[%add3A, %dma_wait3A, %dma_wait3A_32] : memref<32x81x128xi32, #tpu.memory_space<hbm>> -> memref<1x81x128xi32, #tpu.memory_space<hbm>>
    %dma_wait3A_34 = tpu.memref_squeeze %dma_wait3A_33 : memref<1x81x128xi32, #tpu.memory_space<hbm>> -> memref<81x128xi32, #tpu.memory_space<hbm>>
    %dma_wait3A_35 = arith.constant 0 : i32
    %dma_wait3A_36 = arith.constant 0 : i32
    %dma_wait3A_37 = tpu.memref_slice %arg3[%add3A, %dma_wait3A_35, %dma_wait3A_36] : memref<32x81x128xi32, #tpu.memory_space<hbm>> -> memref<1x81x128xi32, #tpu.memory_space<hbm>>
    %dma_wait3A_38 = tpu.memref_squeeze %dma_wait3A_37 : memref<1x81x128xi32, #tpu.memory_space<hbm>> -> memref<81x128xi32, #tpu.memory_space<hbm>>
    tpu.wait_dma2 semaphore(%arg13 : memref<!tpu.dma_semaphore, #tpu.memory_space<semaphore_mem>>) src(%dma_wait3A_38 : memref<81x128xi32, #tpu.memory_space<hbm>>) dst(%arg7 : memref<81x128xi32, #tpu.memory_space<vmem>>)
    %dma_wait3A_39 = arith.constant 0 : i32
    %dma_wait3A_40 = arith.constant 0 : i32
    %dma_wait3A_41 = tpu.memref_slice %arg4[%add3A, %dma_wait3A_39, %dma_wait3A_40] : memref<32x81x128xi32, #tpu.memory_space<hbm>> -> memref<1x81x128xi32, #tpu.memory_space<hbm>>
    %dma_wait3A_42 = tpu.memref_squeeze %dma_wait3A_41 : memref<1x81x128xi32, #tpu.memory_space<hbm>> -> memref<81x128xi32, #tpu.memory_space<hbm>>
    %dma_wait3A_43 = arith.constant 0 : i32
    %dma_wait3A_44 = arith.constant 0 : i32
    %dma_wait3A_45 = tpu.memref_slice %arg4[%add3A, %dma_wait3A_43, %dma_wait3A_44] : memref<32x81x128xi32, #tpu.memory_space<hbm>> -> memref<1x81x128xi32, #tpu.memory_space<hbm>>
    %dma_wait3A_46 = tpu.memref_squeeze %dma_wait3A_45 : memref<1x81x128xi32, #tpu.memory_space<hbm>> -> memref<81x128xi32, #tpu.memory_space<hbm>>
    tpu.wait_dma2 semaphore(%arg14 : memref<!tpu.dma_semaphore, #tpu.memory_space<semaphore_mem>>) src(%dma_wait3A_46 : memref<81x128xi32, #tpu.memory_space<hbm>>) dst(%arg8 : memref<81x128xi32, #tpu.memory_space<vmem>>)
    %dma_wait3A_47 = arith.constant 0 : i32
    %dma_wait3A_48 = tpu.memref_slice %arg11[%mul3A_11, %dma_wait3A_47] : memref<10240x64xf32, #tpu.memory_space<vmem_shared>> -> memref<640x64xf32, #tpu.memory_space<vmem_shared>>
    %dma_wait3A_49 = arith.constant 0 : i32
    %dma_wait3A_50 = tpu.memref_slice %arg5[%mul3A_9, %dma_wait3A_49] : memref<10240x64xf32, #tpu.memory_space<hbm>> -> memref<640x64xf32, #tpu.memory_space<hbm>>
    tpu.wait_dma2 semaphore(%arg15 : memref<!tpu.dma_semaphore, #tpu.memory_space<semaphore_mem>>) src(%dma_wait3A_50 : memref<640x64xf32, #tpu.memory_space<hbm>>) dst(%dma_wait3A_48 : memref<640x64xf32, #tpu.memory_space<vmem_shared>>)
    %dma_wait3A_51 = arith.constant 0 : i32
    %dma_wait3A_52 = tpu.memref_slice %arg12[%mul3A_4, %dma_wait3A_51] : memref<10240x64xf32, #tpu.memory_space<vmem_shared>> -> memref<640x64xf32, #tpu.memory_space<vmem_shared>>
    %dma_wait3A_53 = arith.constant 0 : i32
    %dma_wait3A_54 = tpu.memref_slice %arg2[%mul3A_2, %dma_wait3A_53] : memref<10240x64xf32, #tpu.memory_space<hbm>> -> memref<640x64xf32, #tpu.memory_space<hbm>>
    tpu.wait_dma2 semaphore(%arg17 : memref<!tpu.dma_semaphore, #tpu.memory_space<semaphore_mem>>) src(%dma_wait3A_54 : memref<640x64xf32, #tpu.memory_space<hbm>>) dst(%dma_wait3A_52 : memref<640x64xf32, #tpu.memory_space<vmem_shared>>)
    %barrier3A = arith.constant 0 : index
    tpu.barrier barrier_id(%barrier3A)
    %dma_start3A_55 = arith.constant 0 : i32
    %dma_start3A_56 = arith.constant 0 : i32
    %dma_start3A_57 = tpu.memref_slice %arg7[%dma_start3A_55, %dma_start3A_56] : memref<81x128xi32, #tpu.memory_space<vmem>> -> memref<1x128xi32, #tpu.memory_space<vmem>>
    %dma_start3A_58 = tpu.memref_squeeze %dma_start3A_57 : memref<1x128xi32, #tpu.memory_space<vmem>> -> memref<128xi32, #tpu.memory_space<vmem>>
    %dma_start3A_59 = arith.constant 0 : i32
    %dma_start3A_60 = arith.constant 0 : i32
    %dma_start3A_61 = tpu.memref_slice %arg12[%dma_start3A_59, %dma_start3A_60] : memref<10240x64xf32, #tpu.memory_space<vmem_shared>> -> memref<10240x64xf32, #tpu.memory_space<vmem_shared>>
    tpu.enqueue_indirect_dma source(%dma_start3A_61 : memref<10240x64xf32, #tpu.memory_space<vmem_shared>>) target(%arg9 : memref<128x64xf32, #tpu.memory_space<vmem>>) offsets(%dma_start3A_58 : memref<128xi32, #tpu.memory_space<vmem>>) semaphore(%arg13 : memref<!tpu.dma_semaphore, #tpu.memory_space<semaphore_mem>>)
    %dma_start3A_62 = arith.constant 1 : i32
    %dma_start3A_63 = arith.constant 0 : i32
    %dma_start3A_64 = tpu.memref_slice %arg7[%dma_start3A_62, %dma_start3A_63] : memref<81x128xi32, #tpu.memory_space<vmem>> -> memref<1x128xi32, #tpu.memory_space<vmem>>
    %dma_start3A_65 = tpu.memref_squeeze %dma_start3A_64 : memref<1x128xi32, #tpu.memory_space<vmem>> -> memref<128xi32, #tpu.memory_space<vmem>>
    %dma_start3A_66 = arith.constant 0 : i32
    %dma_start3A_67 = arith.constant 0 : i32
    %dma_start3A_68 = tpu.memref_slice %arg12[%dma_start3A_66, %dma_start3A_67] : memref<10240x64xf32, #tpu.memory_space<vmem_shared>> -> memref<10240x64xf32, #tpu.memory_space<vmem_shared>>
    tpu.enqueue_indirect_dma source(%dma_start3A_68 : memref<10240x64xf32, #tpu.memory_space<vmem_shared>>) target(%arg10 : memref<128x64xf32, #tpu.memory_space<vmem>>) offsets(%dma_start3A_65 : memref<128xi32, #tpu.memory_space<vmem>>) semaphore(%arg14 : memref<!tpu.dma_semaphore, #tpu.memory_space<semaphore_mem>>)
    %dma_wait3A_69 = arith.constant 0 : i32
    %dma_wait3A_70 = arith.constant 0 : i32
    %dma_wait3A_71 = tpu.memref_slice %arg7[%dma_wait3A_69, %dma_wait3A_70] : memref<81x128xi32, #tpu.memory_space<vmem>> -> memref<1x128xi32, #tpu.memory_space<vmem>>
    %dma_wait3A_72 = tpu.memref_squeeze %dma_wait3A_71 : memref<1x128xi32, #tpu.memory_space<vmem>> -> memref<128xi32, #tpu.memory_space<vmem>>
    %dma_wait3A_73 = arith.constant 0 : i32
    %dma_wait3A_74 = arith.constant 0 : i32
    %dma_wait3A_75 = tpu.memref_slice %arg12[%dma_wait3A_73, %dma_wait3A_74] : memref<10240x64xf32, #tpu.memory_space<vmem_shared>> -> memref<10240x64xf32, #tpu.memory_space<vmem_shared>>
    tpu.wait_indirect_dma semaphore(%arg13 : memref<!tpu.dma_semaphore, #tpu.memory_space<semaphore_mem>>) src(%dma_wait3A_75 : memref<10240x64xf32, #tpu.memory_space<vmem_shared>>) dst(%arg9 : memref<128x64xf32, #tpu.memory_space<vmem>>)
    %dma_start3A_76 = arith.constant 0 : i32
    %dma_start3A_77 = arith.constant 0 : i32
    %dma_start3A_78 = tpu.memref_slice %arg8[%dma_start3A_76, %dma_start3A_77] : memref<81x128xi32, #tpu.memory_space<vmem>> -> memref<1x128xi32, #tpu.memory_space<vmem>>
    %dma_start3A_79 = tpu.memref_squeeze %dma_start3A_78 : memref<1x128xi32, #tpu.memory_space<vmem>> -> memref<128xi32, #tpu.memory_space<vmem>>
    %dma_start3A_80 = arith.constant 0 : i32
    %dma_start3A_81 = arith.constant 0 : i32
    %dma_start3A_82 = tpu.memref_slice %arg11[%dma_start3A_80, %dma_start3A_81] : memref<10240x64xf32, #tpu.memory_space<vmem_shared>> -> memref<10240x64xf32, #tpu.memory_space<vmem_shared>>
    tpu.enqueue_indirect_dma source(%arg9 : memref<128x64xf32, #tpu.memory_space<vmem>>) target(%dma_start3A_82 : memref<10240x64xf32, #tpu.memory_space<vmem_shared>>) offsets(%dma_start3A_79 : memref<128xi32, #tpu.memory_space<vmem>>) semaphore(%arg15 : memref<!tpu.dma_semaphore, #tpu.memory_space<semaphore_mem>>) {add = true}
    %dma_wait3A_83 = arith.constant 1 : i32
    %dma_wait3A_84 = arith.constant 0 : i32
    %dma_wait3A_85 = tpu.memref_slice %arg7[%dma_wait3A_83, %dma_wait3A_84] : memref<81x128xi32, #tpu.memory_space<vmem>> -> memref<1x128xi32, #tpu.memory_space<vmem>>
    %dma_wait3A_86 = tpu.memref_squeeze %dma_wait3A_85 : memref<1x128xi32, #tpu.memory_space<vmem>> -> memref<128xi32, #tpu.memory_space<vmem>>
    %dma_wait3A_87 = arith.constant 0 : i32
    %dma_wait3A_88 = arith.constant 0 : i32
    %dma_wait3A_89 = tpu.memref_slice %arg12[%dma_wait3A_87, %dma_wait3A_88] : memref<10240x64xf32, #tpu.memory_space<vmem_shared>> -> memref<10240x64xf32, #tpu.memory_space<vmem_shared>>
    tpu.wait_indirect_dma semaphore(%arg14 : memref<!tpu.dma_semaphore, #tpu.memory_space<semaphore_mem>>) src(%dma_wait3A_89 : memref<10240x64xf32, #tpu.memory_space<vmem_shared>>) dst(%arg10 : memref<128x64xf32, #tpu.memory_space<vmem>>)
    %dma_start3A_90 = arith.constant 1 : i32
    %dma_start3A_91 = arith.constant 0 : i32
    %dma_start3A_92 = tpu.memref_slice %arg8[%dma_start3A_90, %dma_start3A_91] : memref<81x128xi32, #tpu.memory_space<vmem>> -> memref<1x128xi32, #tpu.memory_space<vmem>>
    %dma_start3A_93 = tpu.memref_squeeze %dma_start3A_92 : memref<1x128xi32, #tpu.memory_space<vmem>> -> memref<128xi32, #tpu.memory_space<vmem>>
    %dma_start3A_94 = arith.constant 0 : i32
    %dma_start3A_95 = arith.constant 0 : i32
    %dma_start3A_96 = tpu.memref_slice %arg11[%dma_start3A_94, %dma_start3A_95] : memref<10240x64xf32, #tpu.memory_space<vmem_shared>> -> memref<10240x64xf32, #tpu.memory_space<vmem_shared>>
    tpu.enqueue_indirect_dma source(%arg10 : memref<128x64xf32, #tpu.memory_space<vmem>>) target(%dma_start3A_96 : memref<10240x64xf32, #tpu.memory_space<vmem_shared>>) offsets(%dma_start3A_93 : memref<128xi32, #tpu.memory_space<vmem>>) semaphore(%arg16 : memref<!tpu.dma_semaphore, #tpu.memory_space<semaphore_mem>>) {add = true}
    %scan3A = arith.constant 0 : i32
    %scan3A_97 = arith.constant 1 : i32
    %scan3A_98 = arith.constant 39 : i32
    %scan3A_99 = arith.addi %scan3A_97, %scan3A_98 : i32
    %scan3A_100 = arith.constant 1 : i32
    scf.for %scan3A_149 = %scan3A_97 to %scan3A_99 step %scan3A_100  : i32 {
      %mul3A_150 = arith.constant 2 : i32
      %mul3A_151 = arith.muli %mul3A_150, %scan3A_149 : i32
      %add3A_152 = arith.constant 1 : i32
      %add3A_153 = arith.addi %mul3A_151, %add3A_152 : i32
      %dma_wait3A_154 = arith.constant 0 : i32
      %dma_wait3A_155 = tpu.memref_slice %arg8[%mul3A_151, %dma_wait3A_154] : memref<81x128xi32, #tpu.memory_space<vmem>> -> memref<1x128xi32, #tpu.memory_space<vmem>>
      %dma_wait3A_156 = tpu.memref_squeeze %dma_wait3A_155 : memref<1x128xi32, #tpu.memory_space<vmem>> -> memref<128xi32, #tpu.memory_space<vmem>>
      %dma_wait3A_157 = arith.constant 0 : i32
      %dma_wait3A_158 = arith.constant 0 : i32
      %dma_wait3A_159 = tpu.memref_slice %arg11[%dma_wait3A_157, %dma_wait3A_158] : memref<10240x64xf32, #tpu.memory_space<vmem_shared>> -> memref<10240x64xf32, #tpu.memory_space<vmem_shared>>
      tpu.wait_indirect_dma semaphore(%arg15 : memref<!tpu.dma_semaphore, #tpu.memory_space<semaphore_mem>>) src(%arg9 : memref<128x64xf32, #tpu.memory_space<vmem>>) dst(%dma_wait3A_159 : memref<10240x64xf32, #tpu.memory_space<vmem_shared>>)
      %dma_start3A_160 = arith.constant 0 : i32
      %dma_start3A_161 = tpu.memref_slice %arg7[%mul3A_151, %dma_start3A_160] : memref<81x128xi32, #tpu.memory_space<vmem>> -> memref<1x128xi32, #tpu.memory_space<vmem>>
      %dma_start3A_162 = tpu.memref_squeeze %dma_start3A_161 : memref<1x128xi32, #tpu.memory_space<vmem>> -> memref<128xi32, #tpu.memory_space<vmem>>
      %dma_start3A_163 = arith.constant 0 : i32
      %dma_start3A_164 = arith.constant 0 : i32
      %dma_start3A_165 = tpu.memref_slice %arg12[%dma_start3A_163, %dma_start3A_164] : memref<10240x64xf32, #tpu.memory_space<vmem_shared>> -> memref<10240x64xf32, #tpu.memory_space<vmem_shared>>
      tpu.enqueue_indirect_dma source(%dma_start3A_165 : memref<10240x64xf32, #tpu.memory_space<vmem_shared>>) target(%arg9 : memref<128x64xf32, #tpu.memory_space<vmem>>) offsets(%dma_start3A_162 : memref<128xi32, #tpu.memory_space<vmem>>) semaphore(%arg13 : memref<!tpu.dma_semaphore, #tpu.memory_space<semaphore_mem>>)
      %dma_wait3A_166 = arith.constant 0 : i32
      %dma_wait3A_167 = tpu.memref_slice %arg8[%add3A_153, %dma_wait3A_166] : memref<81x128xi32, #tpu.memory_space<vmem>> -> memref<1x128xi32, #tpu.memory_space<vmem>>
      %dma_wait3A_168 = tpu.memref_squeeze %dma_wait3A_167 : memref<1x128xi32, #tpu.memory_space<vmem>> -> memref<128xi32, #tpu.memory_space<vmem>>
      %dma_wait3A_169 = arith.constant 0 : i32
      %dma_wait3A_170 = arith.constant 0 : i32
      %dma_wait3A_171 = tpu.memref_slice %arg11[%dma_wait3A_169, %dma_wait3A_170] : memref<10240x64xf32, #tpu.memory_space<vmem_shared>> -> memref<10240x64xf32, #tpu.memory_space<vmem_shared>>
      tpu.wait_indirect_dma semaphore(%arg16 : memref<!tpu.dma_semaphore, #tpu.memory_space<semaphore_mem>>) src(%arg10 : memref<128x64xf32, #tpu.memory_space<vmem>>) dst(%dma_wait3A_171 : memref<10240x64xf32, #tpu.memory_space<vmem_shared>>)
      %dma_start3A_172 = arith.constant 0 : i32
      %dma_start3A_173 = tpu.memref_slice %arg7[%add3A_153, %dma_start3A_172] : memref<81x128xi32, #tpu.memory_space<vmem>> -> memref<1x128xi32, #tpu.memory_space<vmem>>
      %dma_start3A_174 = tpu.memref_squeeze %dma_start3A_173 : memref<1x128xi32, #tpu.memory_space<vmem>> -> memref<128xi32, #tpu.memory_space<vmem>>
      %dma_start3A_175 = arith.constant 0 : i32
      %dma_start3A_176 = arith.constant 0 : i32
      %dma_start3A_177 = tpu.memref_slice %arg12[%dma_start3A_175, %dma_start3A_176] : memref<10240x64xf32, #tpu.memory_space<vmem_shared>> -> memref<10240x64xf32, #tpu.memory_space<vmem_shared>>
      tpu.enqueue_indirect_dma source(%dma_start3A_177 : memref<10240x64xf32, #tpu.memory_space<vmem_shared>>) target(%arg10 : memref<128x64xf32, #tpu.memory_space<vmem>>) offsets(%dma_start3A_174 : memref<128xi32, #tpu.memory_space<vmem>>) semaphore(%arg14 : memref<!tpu.dma_semaphore, #tpu.memory_space<semaphore_mem>>)
      %dma_wait3A_178 = arith.constant 0 : i32
      %dma_wait3A_179 = tpu.memref_slice %arg7[%mul3A_151, %dma_wait3A_178] : memref<81x128xi32, #tpu.memory_space<vmem>> -> memref<1x128xi32, #tpu.memory_space<vmem>>
      %dma_wait3A_180 = tpu.memref_squeeze %dma_wait3A_179 : memref<1x128xi32, #tpu.memory_space<vmem>> -> memref<128xi32, #tpu.memory_space<vmem>>
      %dma_wait3A_181 = arith.constant 0 : i32
      %dma_wait3A_182 = arith.constant 0 : i32
      %dma_wait3A_183 = tpu.memref_slice %arg12[%dma_wait3A_181, %dma_wait3A_182] : memref<10240x64xf32, #tpu.memory_space<vmem_shared>> -> memref<10240x64xf32, #tpu.memory_space<vmem_shared>>
      tpu.wait_indirect_dma semaphore(%arg13 : memref<!tpu.dma_semaphore, #tpu.memory_space<semaphore_mem>>) src(%dma_wait3A_183 : memref<10240x64xf32, #tpu.memory_space<vmem_shared>>) dst(%arg9 : memref<128x64xf32, #tpu.memory_space<vmem>>)
      %dma_start3A_184 = arith.constant 0 : i32
      %dma_start3A_185 = tpu.memref_slice %arg8[%mul3A_151, %dma_start3A_184] : memref<81x128xi32, #tpu.memory_space<vmem>> -> memref<1x128xi32, #tpu.memory_space<vmem>>
      %dma_start3A_186 = tpu.memref_squeeze %dma_start3A_185 : memref<1x128xi32, #tpu.memory_space<vmem>> -> memref<128xi32, #tpu.memory_space<vmem>>
      %dma_start3A_187 = arith.constant 0 : i32
      %dma_start3A_188 = arith.constant 0 : i32
      %dma_start3A_189 = tpu.memref_slice %arg11[%dma_start3A_187, %dma_start3A_188] : memref<10240x64xf32, #tpu.memory_space<vmem_shared>> -> memref<10240x64xf32, #tpu.memory_space<vmem_shared>>
      tpu.enqueue_indirect_dma source(%arg9 : memref<128x64xf32, #tpu.memory_space<vmem>>) target(%dma_start3A_189 : memref<10240x64xf32, #tpu.memory_space<vmem_shared>>) offsets(%dma_start3A_186 : memref<128xi32, #tpu.memory_space<vmem>>) semaphore(%arg15 : memref<!tpu.dma_semaphore, #tpu.memory_space<semaphore_mem>>) {add = true}
      %dma_wait3A_190 = arith.constant 0 : i32
      %dma_wait3A_191 = tpu.memref_slice %arg7[%add3A_153, %dma_wait3A_190] : memref<81x128xi32, #tpu.memory_space<vmem>> -> memref<1x128xi32, #tpu.memory_space<vmem>>
      %dma_wait3A_192 = tpu.memref_squeeze %dma_wait3A_191 : memref<1x128xi32, #tpu.memory_space<vmem>> -> memref<128xi32, #tpu.memory_space<vmem>>
      %dma_wait3A_193 = arith.constant 0 : i32
      %dma_wait3A_194 = arith.constant 0 : i32
      %dma_wait3A_195 = tpu.memref_slice %arg12[%dma_wait3A_193, %dma_wait3A_194] : memref<10240x64xf32, #tpu.memory_space<vmem_shared>> -> memref<10240x64xf32, #tpu.memory_space<vmem_shared>>
      tpu.wait_indirect_dma semaphore(%arg14 : memref<!tpu.dma_semaphore, #tpu.memory_space<semaphore_mem>>) src(%dma_wait3A_195 : memref<10240x64xf32, #tpu.memory_space<vmem_shared>>) dst(%arg10 : memref<128x64xf32, #tpu.memory_space<vmem>>)
      %dma_start3A_196 = arith.constant 0 : i32
      %dma_start3A_197 = tpu.memref_slice %arg8[%add3A_153, %dma_start3A_196] : memref<81x128xi32, #tpu.memory_space<vmem>> -> memref<1x128xi32, #tpu.memory_space<vmem>>
      %dma_start3A_198 = tpu.memref_squeeze %dma_start3A_197 : memref<1x128xi32, #tpu.memory_space<vmem>> -> memref<128xi32, #tpu.memory_space<vmem>>
      %dma_start3A_199 = arith.constant 0 : i32
      %dma_start3A_200 = arith.constant 0 : i32
      %dma_start3A_201 = tpu.memref_slice %arg11[%dma_start3A_199, %dma_start3A_200] : memref<10240x64xf32, #tpu.memory_space<vmem_shared>> -> memref<10240x64xf32, #tpu.memory_space<vmem_shared>>
      tpu.enqueue_indirect_dma source(%arg10 : memref<128x64xf32, #tpu.memory_space<vmem>>) target(%dma_start3A_201 : memref<10240x64xf32, #tpu.memory_space<vmem_shared>>) offsets(%dma_start3A_198 : memref<128xi32, #tpu.memory_space<vmem>>) semaphore(%arg16 : memref<!tpu.dma_semaphore, #tpu.memory_space<semaphore_mem>>) {add = true}
    }
    %scan3A_101 = arith.constant 39 : i32
    %dma_wait3A_102 = arith.constant 78 : i32
    %dma_wait3A_103 = arith.constant 0 : i32
    %dma_wait3A_104 = tpu.memref_slice %arg8[%dma_wait3A_102, %dma_wait3A_103] : memref<81x128xi32, #tpu.memory_space<vmem>> -> memref<1x128xi32, #tpu.memory_space<vmem>>
    %dma_wait3A_105 = tpu.memref_squeeze %dma_wait3A_104 : memref<1x128xi32, #tpu.memory_space<vmem>> -> memref<128xi32, #tpu.memory_space<vmem>>
    %dma_wait3A_106 = arith.constant 0 : i32
    %dma_wait3A_107 = arith.constant 0 : i32
    %dma_wait3A_108 = tpu.memref_slice %arg11[%dma_wait3A_106, %dma_wait3A_107] : memref<10240x64xf32, #tpu.memory_space<vmem_shared>> -> memref<10240x64xf32, #tpu.memory_space<vmem_shared>>
    tpu.wait_indirect_dma semaphore(%arg15 : memref<!tpu.dma_semaphore, #tpu.memory_space<semaphore_mem>>) src(%arg9 : memref<128x64xf32, #tpu.memory_space<vmem>>) dst(%dma_wait3A_108 : memref<10240x64xf32, #tpu.memory_space<vmem_shared>>)
    %dma_start3A_109 = arith.constant 80 : i32
    %dma_start3A_110 = arith.constant 0 : i32
    %dma_start3A_111 = tpu.memref_slice %arg7[%dma_start3A_109, %dma_start3A_110] : memref<81x128xi32, #tpu.memory_space<vmem>> -> memref<1x128xi32, #tpu.memory_space<vmem>>
    %dma_start3A_112 = tpu.memref_squeeze %dma_start3A_111 : memref<1x128xi32, #tpu.memory_space<vmem>> -> memref<128xi32, #tpu.memory_space<vmem>>
    %dma_start3A_113 = arith.constant 0 : i32
    %dma_start3A_114 = arith.constant 0 : i32
    %dma_start3A_115 = tpu.memref_slice %arg12[%dma_start3A_113, %dma_start3A_114] : memref<10240x64xf32, #tpu.memory_space<vmem_shared>> -> memref<10240x64xf32, #tpu.memory_space<vmem_shared>>
    tpu.enqueue_indirect_dma source(%dma_start3A_115 : memref<10240x64xf32, #tpu.memory_space<vmem_shared>>) target(%arg9 : memref<128x64xf32, #tpu.memory_space<vmem>>) offsets(%dma_start3A_112 : memref<128xi32, #tpu.memory_space<vmem>>) semaphore(%arg13 : memref<!tpu.dma_semaphore, #tpu.memory_space<semaphore_mem>>)
    %dma_wait3A_116 = arith.constant 80 : i32
    %dma_wait3A_117 = arith.constant 0 : i32
    %dma_wait3A_118 = tpu.memref_slice %arg7[%dma_wait3A_116, %dma_wait3A_117] : memref<81x128xi32, #tpu.memory_space<vmem>> -> memref<1x128xi32, #tpu.memory_space<vmem>>
    %dma_wait3A_119 = tpu.memref_squeeze %dma_wait3A_118 : memref<1x128xi32, #tpu.memory_space<vmem>> -> memref<128xi32, #tpu.memory_space<vmem>>
    %dma_wait3A_120 = arith.constant 0 : i32
    %dma_wait3A_121 = arith.constant 0 : i32
    %dma_wait3A_122 = tpu.memref_slice %arg12[%dma_wait3A_120, %dma_wait3A_121] : memref<10240x64xf32, #tpu.memory_space<vmem_shared>> -> memref<10240x64xf32, #tpu.memory_space<vmem_shared>>
    tpu.wait_indirect_dma semaphore(%arg13 : memref<!tpu.dma_semaphore, #tpu.memory_space<semaphore_mem>>) src(%dma_wait3A_122 : memref<10240x64xf32, #tpu.memory_space<vmem_shared>>) dst(%arg9 : memref<128x64xf32, #tpu.memory_space<vmem>>)
    %dma_start3A_123 = arith.constant 80 : i32
    %dma_start3A_124 = arith.constant 0 : i32
    %dma_start3A_125 = tpu.memref_slice %arg8[%dma_start3A_123, %dma_start3A_124] : memref<81x128xi32, #tpu.memory_space<vmem>> -> memref<1x128xi32, #tpu.memory_space<vmem>>
    %dma_start3A_126 = tpu.memref_squeeze %dma_start3A_125 : memref<1x128xi32, #tpu.memory_space<vmem>> -> memref<128xi32, #tpu.memory_space<vmem>>
    %dma_start3A_127 = arith.constant 0 : i32
    %dma_start3A_128 = arith.constant 0 : i32
    %dma_start3A_129 = tpu.memref_slice %arg11[%dma_start3A_127, %dma_start3A_128] : memref<10240x64xf32, #tpu.memory_space<vmem_shared>> -> memref<10240x64xf32, #tpu.memory_space<vmem_shared>>
    tpu.enqueue_indirect_dma source(%arg9 : memref<128x64xf32, #tpu.memory_space<vmem>>) target(%dma_start3A_129 : memref<10240x64xf32, #tpu.memory_space<vmem_shared>>) offsets(%dma_start3A_126 : memref<128xi32, #tpu.memory_space<vmem>>) semaphore(%arg15 : memref<!tpu.dma_semaphore, #tpu.memory_space<semaphore_mem>>) {add = true}
    %dma_wait3A_130 = arith.constant 80 : i32
    %dma_wait3A_131 = arith.constant 0 : i32
    %dma_wait3A_132 = tpu.memref_slice %arg8[%dma_wait3A_130, %dma_wait3A_131] : memref<81x128xi32, #tpu.memory_space<vmem>> -> memref<1x128xi32, #tpu.memory_space<vmem>>
    %dma_wait3A_133 = tpu.memref_squeeze %dma_wait3A_132 : memref<1x128xi32, #tpu.memory_space<vmem>> -> memref<128xi32, #tpu.memory_space<vmem>>
    %dma_wait3A_134 = arith.constant 0 : i32
    %dma_wait3A_135 = arith.constant 0 : i32
    %dma_wait3A_136 = tpu.memref_slice %arg11[%dma_wait3A_134, %dma_wait3A_135] : memref<10240x64xf32, #tpu.memory_space<vmem_shared>> -> memref<10240x64xf32, #tpu.memory_space<vmem_shared>>
    tpu.wait_indirect_dma semaphore(%arg15 : memref<!tpu.dma_semaphore, #tpu.memory_space<semaphore_mem>>) src(%arg9 : memref<128x64xf32, #tpu.memory_space<vmem>>) dst(%dma_wait3A_136 : memref<10240x64xf32, #tpu.memory_space<vmem_shared>>)
    %dma_wait3A_137 = arith.constant 79 : i32
    %dma_wait3A_138 = arith.constant 0 : i32
    %dma_wait3A_139 = tpu.memref_slice %arg8[%dma_wait3A_137, %dma_wait3A_138] : memref<81x128xi32, #tpu.memory_space<vmem>> -> memref<1x128xi32, #tpu.memory_space<vmem>>
    %dma_wait3A_140 = tpu.memref_squeeze %dma_wait3A_139 : memref<1x128xi32, #tpu.memory_space<vmem>> -> memref<128xi32, #tpu.memory_space<vmem>>
    %dma_wait3A_141 = arith.constant 0 : i32
    %dma_wait3A_142 = arith.constant 0 : i32
    %dma_wait3A_143 = tpu.memref_slice %arg11[%dma_wait3A_141, %dma_wait3A_142] : memref<10240x64xf32, #tpu.memory_space<vmem_shared>> -> memref<10240x64xf32, #tpu.memory_space<vmem_shared>>
    tpu.wait_indirect_dma semaphore(%arg16 : memref<!tpu.dma_semaphore, #tpu.memory_space<semaphore_mem>>) src(%arg10 : memref<128x64xf32, #tpu.memory_space<vmem>>) dst(%dma_wait3A_143 : memref<10240x64xf32, #tpu.memory_space<vmem_shared>>)
    %barrier3A_144 = arith.constant 0 : index
    tpu.barrier barrier_id(%barrier3A_144)
    %mul3A_145 = arith.constant 640 : i32
    %mul3A_146 = arith.muli %arg1, %mul3A_145 : i32
    %mul3A_147 = arith.constant 640 : i32
    %mul3A_148 = arith.muli %arg1, %mul3A_147 : i32
    "tpu.region"() ({
      %run_scoped3A = tpu.sem_alloc : memref<!tpu.dma_semaphore, #tpu.memory_space<semaphore_mem>>
      %dma_start3A_149 = arith.constant 0 : i32
      %dma_start3A_150 = tpu.memref_slice %arg6[%arg0, %mul3A_148, %dma_start3A_149] : memref<2x10240x64xf32, #tpu.memory_space<hbm>> -> memref<1x640x64xf32, #tpu.memory_space<hbm>>
      %dma_start3A_151 = tpu.memref_squeeze %dma_start3A_150 : memref<1x640x64xf32, #tpu.memory_space<hbm>> -> memref<640x64xf32, #tpu.memory_space<hbm>>
      %dma_start3A_152 = arith.constant 0 : i32
      %dma_start3A_153 = tpu.memref_slice %arg11[%mul3A_146, %dma_start3A_152] : memref<10240x64xf32, #tpu.memory_space<vmem_shared>> -> memref<640x64xf32, #tpu.memory_space<vmem_shared>>
      tpu.enqueue_dma source(%dma_start3A_153 : memref<640x64xf32, #tpu.memory_space<vmem_shared>>) target(%dma_start3A_151 : memref<640x64xf32, #tpu.memory_space<hbm>>) target_semaphore(%run_scoped3A : memref<!tpu.dma_semaphore, #tpu.memory_space<semaphore_mem>>)
      %dma_wait3A_154 = arith.constant 0 : i32
      %dma_wait3A_155 = tpu.memref_slice %arg6[%arg0, %mul3A_148, %dma_wait3A_154] : memref<2x10240x64xf32, #tpu.memory_space<hbm>> -> memref<1x640x64xf32, #tpu.memory_space<hbm>>
      %dma_wait3A_156 = tpu.memref_squeeze %dma_wait3A_155 : memref<1x640x64xf32, #tpu.memory_space<hbm>> -> memref<640x64xf32, #tpu.memory_space<hbm>>
      %dma_wait3A_157 = arith.constant 0 : i32
      %dma_wait3A_158 = tpu.memref_slice %arg11[%mul3A_146, %dma_wait3A_157] : memref<10240x64xf32, #tpu.memory_space<vmem_shared>> -> memref<640x64xf32, #tpu.memory_space<vmem_shared>>
      tpu.wait_dma2 semaphore(%run_scoped3A : memref<!tpu.dma_semaphore, #tpu.memory_space<semaphore_mem>>) src(%dma_wait3A_158 : memref<640x64xf32, #tpu.memory_space<vmem_shared>>) dst(%dma_wait3A_156 : memref<640x64xf32, #tpu.memory_space<hbm>>)
      tpu.yield
    }) : () -> ()
    return
  }
}

#map = affine_map<(d0, d1) -> (0, 0)>
#map1 = affine_map<(d0, d1) -> (0, 0, 0)>
module attributes {stable_mosaic.version = 14 : i64} {
  func.func @_sc_aggregate(%arg0: i32, %arg1: i32, %arg2: memref<10240x64xf32, #tpu.memory_space<hbm>>, %arg3: memref<32x81x128xi32, #tpu.memory_space<hbm>>, %arg4: memref<32x81x128xi32, #tpu.memory_space<hbm>>, %arg5: memref<10240x64xf32, #tpu.memory_space<hbm>>, %arg6: memref<2x10240x64xf32, #tpu.memory_space<hbm>>, %arg7: memref<81x128xi32, #tpu.memory_space<vmem>>, %arg8: memref<81x128xi32, #tpu.memory_space<vmem>>, %arg9: memref<128x64xf32, #tpu.memory_space<vmem>>, %arg10: memref<128x64xf32, #tpu.memory_space<vmem>>, %arg11: memref<10240x64xf32, #tpu.memory_space<vmem_shared>>, %arg12: memref<10240x64xf32, #tpu.memory_space<vmem_shared>>, %arg13: memref<!tpu.dma_semaphore, #tpu.memory_space<semaphore_mem>>, %arg14: memref<!tpu.dma_semaphore, #tpu.memory_space<semaphore_mem>>, %arg15: memref<!tpu.dma_semaphore, #tpu.memory_space<semaphore_mem>>, %arg16: memref<!tpu.dma_semaphore, #tpu.memory_space<semaphore_mem>>, %arg17: memref<!tpu.dma_semaphore, #tpu.memory_space<semaphore_mem>>) attributes {dimension_semantics = [#tpu.dimension_semantics<core_parallel>, #tpu.dimension_semantics<subcore_parallel>], iteration_bounds = array<i64: 2, 16>, scalar_prefetch = 0 : i64, scratch_operands = 11 : i64, tpu.core_type = #tpu.core_type<sc_vector_subcore>, window_params = [{transform_indices = #map}, {transform_indices = #map1}, {transform_indices = #map1}, {transform_indices = #map}, {transform_indices = #map1}]} {
    %mul3A = arith.constant 16 : i32
    %mul3A_0 = arith.muli %arg0, %mul3A : i32
    %add3A = arith.addi %mul3A_0, %arg1 : i32
    %mul3A_1 = arith.constant 640 : i32
    %mul3A_2 = arith.muli %arg1, %mul3A_1 : i32
    %mul3A_3 = arith.constant 640 : i32
    %mul3A_4 = arith.muli %arg1, %mul3A_3 : i32
    %dma_start3A = arith.constant 0 : i32
    %dma_start3A_5 = tpu.memref_slice %arg12[%mul3A_4, %dma_start3A] : memref<10240x64xf32, #tpu.memory_space<vmem_shared>> -> memref<640x64xf32, #tpu.memory_space<vmem_shared>>
    %dma_start3A_6 = arith.constant 0 : i32
    %dma_start3A_7 = tpu.memref_slice %arg2[%mul3A_2, %dma_start3A_6] : memref<10240x64xf32, #tpu.memory_space<hbm>> -> memref<640x64xf32, #tpu.memory_space<hbm>>
    tpu.enqueue_dma source(%dma_start3A_7 : memref<640x64xf32, #tpu.memory_space<hbm>>) target(%dma_start3A_5 : memref<640x64xf32, #tpu.memory_space<vmem_shared>>) target_semaphore(%arg17 : memref<!tpu.dma_semaphore, #tpu.memory_space<semaphore_mem>>)
    %mul3A_8 = arith.constant 640 : i32
    %mul3A_9 = arith.muli %arg1, %mul3A_8 : i32
    %mul3A_10 = arith.constant 640 : i32
    %mul3A_11 = arith.muli %arg1, %mul3A_10 : i32
    %dma_start3A_12 = arith.constant 0 : i32
    %dma_start3A_13 = tpu.memref_slice %arg11[%mul3A_11, %dma_start3A_12] : memref<10240x64xf32, #tpu.memory_space<vmem_shared>> -> memref<640x64xf32, #tpu.memory_space<vmem_shared>>
    %dma_start3A_14 = arith.constant 0 : i32
    %dma_start3A_15 = tpu.memref_slice %arg5[%mul3A_9, %dma_start3A_14] : memref<10240x64xf32, #tpu.memory_space<hbm>> -> memref<640x64xf32, #tpu.memory_space<hbm>>
    tpu.enqueue_dma source(%dma_start3A_15 : memref<640x64xf32, #tpu.memory_space<hbm>>) target(%dma_start3A_13 : memref<640x64xf32, #tpu.memory_space<vmem_shared>>) target_semaphore(%arg15 : memref<!tpu.dma_semaphore, #tpu.memory_space<semaphore_mem>>)
    %dma_start3A_16 = arith.constant 0 : i32
    %dma_start3A_17 = arith.constant 0 : i32
    %dma_start3A_18 = tpu.memref_slice %arg3[%add3A, %dma_start3A_16, %dma_start3A_17] : memref<32x81x128xi32, #tpu.memory_space<hbm>> -> memref<1x81x128xi32, #tpu.memory_space<hbm>>
    %dma_start3A_19 = tpu.memref_squeeze %dma_start3A_18 : memref<1x81x128xi32, #tpu.memory_space<hbm>> -> memref<81x128xi32, #tpu.memory_space<hbm>>
    %dma_start3A_20 = arith.constant 0 : i32
    %dma_start3A_21 = arith.constant 0 : i32
    %dma_start3A_22 = tpu.memref_slice %arg3[%add3A, %dma_start3A_20, %dma_start3A_21] : memref<32x81x128xi32, #tpu.memory_space<hbm>> -> memref<1x81x128xi32, #tpu.memory_space<hbm>>
    %dma_start3A_23 = tpu.memref_squeeze %dma_start3A_22 : memref<1x81x128xi32, #tpu.memory_space<hbm>> -> memref<81x128xi32, #tpu.memory_space<hbm>>
    tpu.enqueue_dma source(%dma_start3A_23 : memref<81x128xi32, #tpu.memory_space<hbm>>) target(%arg7 : memref<81x128xi32, #tpu.memory_space<vmem>>) target_semaphore(%arg13 : memref<!tpu.dma_semaphore, #tpu.memory_space<semaphore_mem>>)
    %dma_start3A_24 = arith.constant 0 : i32
    %dma_start3A_25 = arith.constant 0 : i32
    %dma_start3A_26 = tpu.memref_slice %arg4[%add3A, %dma_start3A_24, %dma_start3A_25] : memref<32x81x128xi32, #tpu.memory_space<hbm>> -> memref<1x81x128xi32, #tpu.memory_space<hbm>>
    %dma_start3A_27 = tpu.memref_squeeze %dma_start3A_26 : memref<1x81x128xi32, #tpu.memory_space<hbm>> -> memref<81x128xi32, #tpu.memory_space<hbm>>
    %dma_start3A_28 = arith.constant 0 : i32
    %dma_start3A_29 = arith.constant 0 : i32
    %dma_start3A_30 = tpu.memref_slice %arg4[%add3A, %dma_start3A_28, %dma_start3A_29] : memref<32x81x128xi32, #tpu.memory_space<hbm>> -> memref<1x81x128xi32, #tpu.memory_space<hbm>>
    %dma_start3A_31 = tpu.memref_squeeze %dma_start3A_30 : memref<1x81x128xi32, #tpu.memory_space<hbm>> -> memref<81x128xi32, #tpu.memory_space<hbm>>
    tpu.enqueue_dma source(%dma_start3A_31 : memref<81x128xi32, #tpu.memory_space<hbm>>) target(%arg8 : memref<81x128xi32, #tpu.memory_space<vmem>>) target_semaphore(%arg14 : memref<!tpu.dma_semaphore, #tpu.memory_space<semaphore_mem>>)
    %dma_wait3A = arith.constant 0 : i32
    %dma_wait3A_32 = arith.constant 0 : i32
    %dma_wait3A_33 = tpu.memref_slice %arg3[%add3A, %dma_wait3A, %dma_wait3A_32] : memref<32x81x128xi32, #tpu.memory_space<hbm>> -> memref<1x81x128xi32, #tpu.memory_space<hbm>>
    %dma_wait3A_34 = tpu.memref_squeeze %dma_wait3A_33 : memref<1x81x128xi32, #tpu.memory_space<hbm>> -> memref<81x128xi32, #tpu.memory_space<hbm>>
    %dma_wait3A_35 = arith.constant 0 : i32
    %dma_wait3A_36 = arith.constant 0 : i32
    %dma_wait3A_37 = tpu.memref_slice %arg3[%add3A, %dma_wait3A_35, %dma_wait3A_36] : memref<32x81x128xi32, #tpu.memory_space<hbm>> -> memref<1x81x128xi32, #tpu.memory_space<hbm>>
    %dma_wait3A_38 = tpu.memref_squeeze %dma_wait3A_37 : memref<1x81x128xi32, #tpu.memory_space<hbm>> -> memref<81x128xi32, #tpu.memory_space<hbm>>
    tpu.wait_dma2 semaphore(%arg13 : memref<!tpu.dma_semaphore, #tpu.memory_space<semaphore_mem>>) src(%dma_wait3A_38 : memref<81x128xi32, #tpu.memory_space<hbm>>) dst(%arg7 : memref<81x128xi32, #tpu.memory_space<vmem>>)
    %dma_wait3A_39 = arith.constant 0 : i32
    %dma_wait3A_40 = arith.constant 0 : i32
    %dma_wait3A_41 = tpu.memref_slice %arg4[%add3A, %dma_wait3A_39, %dma_wait3A_40] : memref<32x81x128xi32, #tpu.memory_space<hbm>> -> memref<1x81x128xi32, #tpu.memory_space<hbm>>
    %dma_wait3A_42 = tpu.memref_squeeze %dma_wait3A_41 : memref<1x81x128xi32, #tpu.memory_space<hbm>> -> memref<81x128xi32, #tpu.memory_space<hbm>>
    %dma_wait3A_43 = arith.constant 0 : i32
    %dma_wait3A_44 = arith.constant 0 : i32
    %dma_wait3A_45 = tpu.memref_slice %arg4[%add3A, %dma_wait3A_43, %dma_wait3A_44] : memref<32x81x128xi32, #tpu.memory_space<hbm>> -> memref<1x81x128xi32, #tpu.memory_space<hbm>>
    %dma_wait3A_46 = tpu.memref_squeeze %dma_wait3A_45 : memref<1x81x128xi32, #tpu.memory_space<hbm>> -> memref<81x128xi32, #tpu.memory_space<hbm>>
    tpu.wait_dma2 semaphore(%arg14 : memref<!tpu.dma_semaphore, #tpu.memory_space<semaphore_mem>>) src(%dma_wait3A_46 : memref<81x128xi32, #tpu.memory_space<hbm>>) dst(%arg8 : memref<81x128xi32, #tpu.memory_space<vmem>>)
    %dma_wait3A_47 = arith.constant 0 : i32
    %dma_wait3A_48 = tpu.memref_slice %arg11[%mul3A_11, %dma_wait3A_47] : memref<10240x64xf32, #tpu.memory_space<vmem_shared>> -> memref<640x64xf32, #tpu.memory_space<vmem_shared>>
    %dma_wait3A_49 = arith.constant 0 : i32
    %dma_wait3A_50 = tpu.memref_slice %arg5[%mul3A_9, %dma_wait3A_49] : memref<10240x64xf32, #tpu.memory_space<hbm>> -> memref<640x64xf32, #tpu.memory_space<hbm>>
    tpu.wait_dma2 semaphore(%arg15 : memref<!tpu.dma_semaphore, #tpu.memory_space<semaphore_mem>>) src(%dma_wait3A_50 : memref<640x64xf32, #tpu.memory_space<hbm>>) dst(%dma_wait3A_48 : memref<640x64xf32, #tpu.memory_space<vmem_shared>>)
    %dma_wait3A_51 = arith.constant 0 : i32
    %dma_wait3A_52 = tpu.memref_slice %arg12[%mul3A_4, %dma_wait3A_51] : memref<10240x64xf32, #tpu.memory_space<vmem_shared>> -> memref<640x64xf32, #tpu.memory_space<vmem_shared>>
    %dma_wait3A_53 = arith.constant 0 : i32
    %dma_wait3A_54 = tpu.memref_slice %arg2[%mul3A_2, %dma_wait3A_53] : memref<10240x64xf32, #tpu.memory_space<hbm>> -> memref<640x64xf32, #tpu.memory_space<hbm>>
    tpu.wait_dma2 semaphore(%arg17 : memref<!tpu.dma_semaphore, #tpu.memory_space<semaphore_mem>>) src(%dma_wait3A_54 : memref<640x64xf32, #tpu.memory_space<hbm>>) dst(%dma_wait3A_52 : memref<640x64xf32, #tpu.memory_space<vmem_shared>>)
    %barrier3A = arith.constant 0 : index
    tpu.barrier barrier_id(%barrier3A)
    %dma_start3A_55 = arith.constant 0 : i32
    %dma_start3A_56 = arith.constant 0 : i32
    %dma_start3A_57 = tpu.memref_slice %arg7[%dma_start3A_55, %dma_start3A_56] : memref<81x128xi32, #tpu.memory_space<vmem>> -> memref<1x128xi32, #tpu.memory_space<vmem>>
    %dma_start3A_58 = tpu.memref_squeeze %dma_start3A_57 : memref<1x128xi32, #tpu.memory_space<vmem>> -> memref<128xi32, #tpu.memory_space<vmem>>
    %dma_start3A_59 = arith.constant 0 : i32
    %dma_start3A_60 = arith.constant 0 : i32
    %dma_start3A_61 = tpu.memref_slice %arg12[%dma_start3A_59, %dma_start3A_60] : memref<10240x64xf32, #tpu.memory_space<vmem_shared>> -> memref<10240x64xf32, #tpu.memory_space<vmem_shared>>
    tpu.enqueue_indirect_dma source(%dma_start3A_61 : memref<10240x64xf32, #tpu.memory_space<vmem_shared>>) target(%arg9 : memref<128x64xf32, #tpu.memory_space<vmem>>) offsets(%dma_start3A_58 : memref<128xi32, #tpu.memory_space<vmem>>) semaphore(%arg13 : memref<!tpu.dma_semaphore, #tpu.memory_space<semaphore_mem>>)
    %dma_start3A_62 = arith.constant 1 : i32
    %dma_start3A_63 = arith.constant 0 : i32
    %dma_start3A_64 = tpu.memref_slice %arg7[%dma_start3A_62, %dma_start3A_63] : memref<81x128xi32, #tpu.memory_space<vmem>> -> memref<1x128xi32, #tpu.memory_space<vmem>>
    %dma_start3A_65 = tpu.memref_squeeze %dma_start3A_64 : memref<1x128xi32, #tpu.memory_space<vmem>> -> memref<128xi32, #tpu.memory_space<vmem>>
    %dma_start3A_66 = arith.constant 0 : i32
    %dma_start3A_67 = arith.constant 0 : i32
    %dma_start3A_68 = tpu.memref_slice %arg12[%dma_start3A_66, %dma_start3A_67] : memref<10240x64xf32, #tpu.memory_space<vmem_shared>> -> memref<10240x64xf32, #tpu.memory_space<vmem_shared>>
    tpu.enqueue_indirect_dma source(%dma_start3A_68 : memref<10240x64xf32, #tpu.memory_space<vmem_shared>>) target(%arg10 : memref<128x64xf32, #tpu.memory_space<vmem>>) offsets(%dma_start3A_65 : memref<128xi32, #tpu.memory_space<vmem>>) semaphore(%arg14 : memref<!tpu.dma_semaphore, #tpu.memory_space<semaphore_mem>>)
    %dma_wait3A_69 = arith.constant 0 : i32
    %dma_wait3A_70 = arith.constant 0 : i32
    %dma_wait3A_71 = tpu.memref_slice %arg7[%dma_wait3A_69, %dma_wait3A_70] : memref<81x128xi32, #tpu.memory_space<vmem>> -> memref<1x128xi32, #tpu.memory_space<vmem>>
    %dma_wait3A_72 = tpu.memref_squeeze %dma_wait3A_71 : memref<1x128xi32, #tpu.memory_space<vmem>> -> memref<128xi32, #tpu.memory_space<vmem>>
    %dma_wait3A_73 = arith.constant 0 : i32
    %dma_wait3A_74 = arith.constant 0 : i32
    %dma_wait3A_75 = tpu.memref_slice %arg12[%dma_wait3A_73, %dma_wait3A_74] : memref<10240x64xf32, #tpu.memory_space<vmem_shared>> -> memref<10240x64xf32, #tpu.memory_space<vmem_shared>>
    tpu.wait_indirect_dma semaphore(%arg13 : memref<!tpu.dma_semaphore, #tpu.memory_space<semaphore_mem>>) src(%dma_wait3A_75 : memref<10240x64xf32, #tpu.memory_space<vmem_shared>>) dst(%arg9 : memref<128x64xf32, #tpu.memory_space<vmem>>)
    %dma_start3A_76 = arith.constant 0 : i32
    %dma_start3A_77 = arith.constant 0 : i32
    %dma_start3A_78 = tpu.memref_slice %arg8[%dma_start3A_76, %dma_start3A_77] : memref<81x128xi32, #tpu.memory_space<vmem>> -> memref<1x128xi32, #tpu.memory_space<vmem>>
    %dma_start3A_79 = tpu.memref_squeeze %dma_start3A_78 : memref<1x128xi32, #tpu.memory_space<vmem>> -> memref<128xi32, #tpu.memory_space<vmem>>
    %dma_start3A_80 = arith.constant 0 : i32
    %dma_start3A_81 = arith.constant 0 : i32
    %dma_start3A_82 = tpu.memref_slice %arg11[%dma_start3A_80, %dma_start3A_81] : memref<10240x64xf32, #tpu.memory_space<vmem_shared>> -> memref<10240x64xf32, #tpu.memory_space<vmem_shared>>
    tpu.enqueue_indirect_dma source(%arg9 : memref<128x64xf32, #tpu.memory_space<vmem>>) target(%dma_start3A_82 : memref<10240x64xf32, #tpu.memory_space<vmem_shared>>) offsets(%dma_start3A_79 : memref<128xi32, #tpu.memory_space<vmem>>) semaphore(%arg15 : memref<!tpu.dma_semaphore, #tpu.memory_space<semaphore_mem>>) {add = true}
    %dma_wait3A_83 = arith.constant 1 : i32
    %dma_wait3A_84 = arith.constant 0 : i32
    %dma_wait3A_85 = tpu.memref_slice %arg7[%dma_wait3A_83, %dma_wait3A_84] : memref<81x128xi32, #tpu.memory_space<vmem>> -> memref<1x128xi32, #tpu.memory_space<vmem>>
    %dma_wait3A_86 = tpu.memref_squeeze %dma_wait3A_85 : memref<1x128xi32, #tpu.memory_space<vmem>> -> memref<128xi32, #tpu.memory_space<vmem>>
    %dma_wait3A_87 = arith.constant 0 : i32
    %dma_wait3A_88 = arith.constant 0 : i32
    %dma_wait3A_89 = tpu.memref_slice %arg12[%dma_wait3A_87, %dma_wait3A_88] : memref<10240x64xf32, #tpu.memory_space<vmem_shared>> -> memref<10240x64xf32, #tpu.memory_space<vmem_shared>>
    tpu.wait_indirect_dma semaphore(%arg14 : memref<!tpu.dma_semaphore, #tpu.memory_space<semaphore_mem>>) src(%dma_wait3A_89 : memref<10240x64xf32, #tpu.memory_space<vmem_shared>>) dst(%arg10 : memref<128x64xf32, #tpu.memory_space<vmem>>)
    %dma_start3A_90 = arith.constant 1 : i32
    %dma_start3A_91 = arith.constant 0 : i32
    %dma_start3A_92 = tpu.memref_slice %arg8[%dma_start3A_90, %dma_start3A_91] : memref<81x128xi32, #tpu.memory_space<vmem>> -> memref<1x128xi32, #tpu.memory_space<vmem>>
    %dma_start3A_93 = tpu.memref_squeeze %dma_start3A_92 : memref<1x128xi32, #tpu.memory_space<vmem>> -> memref<128xi32, #tpu.memory_space<vmem>>
    %dma_start3A_94 = arith.constant 0 : i32
    %dma_start3A_95 = arith.constant 0 : i32
    %dma_start3A_96 = tpu.memref_slice %arg11[%dma_start3A_94, %dma_start3A_95] : memref<10240x64xf32, #tpu.memory_space<vmem_shared>> -> memref<10240x64xf32, #tpu.memory_space<vmem_shared>>
    tpu.enqueue_indirect_dma source(%arg10 : memref<128x64xf32, #tpu.memory_space<vmem>>) target(%dma_start3A_96 : memref<10240x64xf32, #tpu.memory_space<vmem_shared>>) offsets(%dma_start3A_93 : memref<128xi32, #tpu.memory_space<vmem>>) semaphore(%arg16 : memref<!tpu.dma_semaphore, #tpu.memory_space<semaphore_mem>>) {add = true}
    %scan3A = arith.constant 0 : i32
    %scan3A_97 = arith.constant 1 : i32
    %scan3A_98 = arith.constant 39 : i32
    %scan3A_99 = arith.addi %scan3A_97, %scan3A_98 : i32
    %scan3A_100 = arith.constant 1 : i32
    scf.for %scan3A_149 = %scan3A_97 to %scan3A_99 step %scan3A_100  : i32 {
      %mul3A_150 = arith.constant 2 : i32
      %mul3A_151 = arith.muli %mul3A_150, %scan3A_149 : i32
      %add3A_152 = arith.constant 1 : i32
      %add3A_153 = arith.addi %mul3A_151, %add3A_152 : i32
      %dma_wait3A_154 = arith.constant 0 : i32
      %dma_wait3A_155 = tpu.memref_slice %arg8[%mul3A_151, %dma_wait3A_154] : memref<81x128xi32, #tpu.memory_space<vmem>> -> memref<1x128xi32, #tpu.memory_space<vmem>>
      %dma_wait3A_156 = tpu.memref_squeeze %dma_wait3A_155 : memref<1x128xi32, #tpu.memory_space<vmem>> -> memref<128xi32, #tpu.memory_space<vmem>>
      %dma_wait3A_157 = arith.constant 0 : i32
      %dma_wait3A_158 = arith.constant 0 : i32
      %dma_wait3A_159 = tpu.memref_slice %arg11[%dma_wait3A_157, %dma_wait3A_158] : memref<10240x64xf32, #tpu.memory_space<vmem_shared>> -> memref<10240x64xf32, #tpu.memory_space<vmem_shared>>
      tpu.wait_indirect_dma semaphore(%arg15 : memref<!tpu.dma_semaphore, #tpu.memory_space<semaphore_mem>>) src(%arg9 : memref<128x64xf32, #tpu.memory_space<vmem>>) dst(%dma_wait3A_159 : memref<10240x64xf32, #tpu.memory_space<vmem_shared>>)
      %dma_start3A_160 = arith.constant 0 : i32
      %dma_start3A_161 = tpu.memref_slice %arg7[%mul3A_151, %dma_start3A_160] : memref<81x128xi32, #tpu.memory_space<vmem>> -> memref<1x128xi32, #tpu.memory_space<vmem>>
      %dma_start3A_162 = tpu.memref_squeeze %dma_start3A_161 : memref<1x128xi32, #tpu.memory_space<vmem>> -> memref<128xi32, #tpu.memory_space<vmem>>
      %dma_start3A_163 = arith.constant 0 : i32
      %dma_start3A_164 = arith.constant 0 : i32
      %dma_start3A_165 = tpu.memref_slice %arg12[%dma_start3A_163, %dma_start3A_164] : memref<10240x64xf32, #tpu.memory_space<vmem_shared>> -> memref<10240x64xf32, #tpu.memory_space<vmem_shared>>
      tpu.enqueue_indirect_dma source(%dma_start3A_165 : memref<10240x64xf32, #tpu.memory_space<vmem_shared>>) target(%arg9 : memref<128x64xf32, #tpu.memory_space<vmem>>) offsets(%dma_start3A_162 : memref<128xi32, #tpu.memory_space<vmem>>) semaphore(%arg13 : memref<!tpu.dma_semaphore, #tpu.memory_space<semaphore_mem>>)
      %dma_wait3A_166 = arith.constant 0 : i32
      %dma_wait3A_167 = tpu.memref_slice %arg8[%add3A_153, %dma_wait3A_166] : memref<81x128xi32, #tpu.memory_space<vmem>> -> memref<1x128xi32, #tpu.memory_space<vmem>>
      %dma_wait3A_168 = tpu.memref_squeeze %dma_wait3A_167 : memref<1x128xi32, #tpu.memory_space<vmem>> -> memref<128xi32, #tpu.memory_space<vmem>>
      %dma_wait3A_169 = arith.constant 0 : i32
      %dma_wait3A_170 = arith.constant 0 : i32
      %dma_wait3A_171 = tpu.memref_slice %arg11[%dma_wait3A_169, %dma_wait3A_170] : memref<10240x64xf32, #tpu.memory_space<vmem_shared>> -> memref<10240x64xf32, #tpu.memory_space<vmem_shared>>
      tpu.wait_indirect_dma semaphore(%arg16 : memref<!tpu.dma_semaphore, #tpu.memory_space<semaphore_mem>>) src(%arg10 : memref<128x64xf32, #tpu.memory_space<vmem>>) dst(%dma_wait3A_171 : memref<10240x64xf32, #tpu.memory_space<vmem_shared>>)
      %dma_start3A_172 = arith.constant 0 : i32
      %dma_start3A_173 = tpu.memref_slice %arg7[%add3A_153, %dma_start3A_172] : memref<81x128xi32, #tpu.memory_space<vmem>> -> memref<1x128xi32, #tpu.memory_space<vmem>>
      %dma_start3A_174 = tpu.memref_squeeze %dma_start3A_173 : memref<1x128xi32, #tpu.memory_space<vmem>> -> memref<128xi32, #tpu.memory_space<vmem>>
      %dma_start3A_175 = arith.constant 0 : i32
      %dma_start3A_176 = arith.constant 0 : i32
      %dma_start3A_177 = tpu.memref_slice %arg12[%dma_start3A_175, %dma_start3A_176] : memref<10240x64xf32, #tpu.memory_space<vmem_shared>> -> memref<10240x64xf32, #tpu.memory_space<vmem_shared>>
      tpu.enqueue_indirect_dma source(%dma_start3A_177 : memref<10240x64xf32, #tpu.memory_space<vmem_shared>>) target(%arg10 : memref<128x64xf32, #tpu.memory_space<vmem>>) offsets(%dma_start3A_174 : memref<128xi32, #tpu.memory_space<vmem>>) semaphore(%arg14 : memref<!tpu.dma_semaphore, #tpu.memory_space<semaphore_mem>>)
      %dma_wait3A_178 = arith.constant 0 : i32
      %dma_wait3A_179 = tpu.memref_slice %arg7[%mul3A_151, %dma_wait3A_178] : memref<81x128xi32, #tpu.memory_space<vmem>> -> memref<1x128xi32, #tpu.memory_space<vmem>>
      %dma_wait3A_180 = tpu.memref_squeeze %dma_wait3A_179 : memref<1x128xi32, #tpu.memory_space<vmem>> -> memref<128xi32, #tpu.memory_space<vmem>>
      %dma_wait3A_181 = arith.constant 0 : i32
      %dma_wait3A_182 = arith.constant 0 : i32
      %dma_wait3A_183 = tpu.memref_slice %arg12[%dma_wait3A_181, %dma_wait3A_182] : memref<10240x64xf32, #tpu.memory_space<vmem_shared>> -> memref<10240x64xf32, #tpu.memory_space<vmem_shared>>
      tpu.wait_indirect_dma semaphore(%arg13 : memref<!tpu.dma_semaphore, #tpu.memory_space<semaphore_mem>>) src(%dma_wait3A_183 : memref<10240x64xf32, #tpu.memory_space<vmem_shared>>) dst(%arg9 : memref<128x64xf32, #tpu.memory_space<vmem>>)
      %dma_start3A_184 = arith.constant 0 : i32
      %dma_start3A_185 = tpu.memref_slice %arg8[%mul3A_151, %dma_start3A_184] : memref<81x128xi32, #tpu.memory_space<vmem>> -> memref<1x128xi32, #tpu.memory_space<vmem>>
      %dma_start3A_186 = tpu.memref_squeeze %dma_start3A_185 : memref<1x128xi32, #tpu.memory_space<vmem>> -> memref<128xi32, #tpu.memory_space<vmem>>
      %dma_start3A_187 = arith.constant 0 : i32
      %dma_start3A_188 = arith.constant 0 : i32
      %dma_start3A_189 = tpu.memref_slice %arg11[%dma_start3A_187, %dma_start3A_188] : memref<10240x64xf32, #tpu.memory_space<vmem_shared>> -> memref<10240x64xf32, #tpu.memory_space<vmem_shared>>
      tpu.enqueue_indirect_dma source(%arg9 : memref<128x64xf32, #tpu.memory_space<vmem>>) target(%dma_start3A_189 : memref<10240x64xf32, #tpu.memory_space<vmem_shared>>) offsets(%dma_start3A_186 : memref<128xi32, #tpu.memory_space<vmem>>) semaphore(%arg15 : memref<!tpu.dma_semaphore, #tpu.memory_space<semaphore_mem>>) {add = true}
      %dma_wait3A_190 = arith.constant 0 : i32
      %dma_wait3A_191 = tpu.memref_slice %arg7[%add3A_153, %dma_wait3A_190] : memref<81x128xi32, #tpu.memory_space<vmem>> -> memref<1x128xi32, #tpu.memory_space<vmem>>
      %dma_wait3A_192 = tpu.memref_squeeze %dma_wait3A_191 : memref<1x128xi32, #tpu.memory_space<vmem>> -> memref<128xi32, #tpu.memory_space<vmem>>
      %dma_wait3A_193 = arith.constant 0 : i32
      %dma_wait3A_194 = arith.constant 0 : i32
      %dma_wait3A_195 = tpu.memref_slice %arg12[%dma_wait3A_193, %dma_wait3A_194] : memref<10240x64xf32, #tpu.memory_space<vmem_shared>> -> memref<10240x64xf32, #tpu.memory_space<vmem_shared>>
      tpu.wait_indirect_dma semaphore(%arg14 : memref<!tpu.dma_semaphore, #tpu.memory_space<semaphore_mem>>) src(%dma_wait3A_195 : memref<10240x64xf32, #tpu.memory_space<vmem_shared>>) dst(%arg10 : memref<128x64xf32, #tpu.memory_space<vmem>>)
      %dma_start3A_196 = arith.constant 0 : i32
      %dma_start3A_197 = tpu.memref_slice %arg8[%add3A_153, %dma_start3A_196] : memref<81x128xi32, #tpu.memory_space<vmem>> -> memref<1x128xi32, #tpu.memory_space<vmem>>
      %dma_start3A_198 = tpu.memref_squeeze %dma_start3A_197 : memref<1x128xi32, #tpu.memory_space<vmem>> -> memref<128xi32, #tpu.memory_space<vmem>>
      %dma_start3A_199 = arith.constant 0 : i32
      %dma_start3A_200 = arith.constant 0 : i32
      %dma_start3A_201 = tpu.memref_slice %arg11[%dma_start3A_199, %dma_start3A_200] : memref<10240x64xf32, #tpu.memory_space<vmem_shared>> -> memref<10240x64xf32, #tpu.memory_space<vmem_shared>>
      tpu.enqueue_indirect_dma source(%arg10 : memref<128x64xf32, #tpu.memory_space<vmem>>) target(%dma_start3A_201 : memref<10240x64xf32, #tpu.memory_space<vmem_shared>>) offsets(%dma_start3A_198 : memref<128xi32, #tpu.memory_space<vmem>>) semaphore(%arg16 : memref<!tpu.dma_semaphore, #tpu.memory_space<semaphore_mem>>) {add = true}
    }
    %scan3A_101 = arith.constant 39 : i32
    %dma_wait3A_102 = arith.constant 78 : i32
    %dma_wait3A_103 = arith.constant 0 : i32
    %dma_wait3A_104 = tpu.memref_slice %arg8[%dma_wait3A_102, %dma_wait3A_103] : memref<81x128xi32, #tpu.memory_space<vmem>> -> memref<1x128xi32, #tpu.memory_space<vmem>>
    %dma_wait3A_105 = tpu.memref_squeeze %dma_wait3A_104 : memref<1x128xi32, #tpu.memory_space<vmem>> -> memref<128xi32, #tpu.memory_space<vmem>>
    %dma_wait3A_106 = arith.constant 0 : i32
    %dma_wait3A_107 = arith.constant 0 : i32
    %dma_wait3A_108 = tpu.memref_slice %arg11[%dma_wait3A_106, %dma_wait3A_107] : memref<10240x64xf32, #tpu.memory_space<vmem_shared>> -> memref<10240x64xf32, #tpu.memory_space<vmem_shared>>
    tpu.wait_indirect_dma semaphore(%arg15 : memref<!tpu.dma_semaphore, #tpu.memory_space<semaphore_mem>>) src(%arg9 : memref<128x64xf32, #tpu.memory_space<vmem>>) dst(%dma_wait3A_108 : memref<10240x64xf32, #tpu.memory_space<vmem_shared>>)
    %dma_start3A_109 = arith.constant 80 : i32
    %dma_start3A_110 = arith.constant 0 : i32
    %dma_start3A_111 = tpu.memref_slice %arg7[%dma_start3A_109, %dma_start3A_110] : memref<81x128xi32, #tpu.memory_space<vmem>> -> memref<1x128xi32, #tpu.memory_space<vmem>>
    %dma_start3A_112 = tpu.memref_squeeze %dma_start3A_111 : memref<1x128xi32, #tpu.memory_space<vmem>> -> memref<128xi32, #tpu.memory_space<vmem>>
    %dma_start3A_113 = arith.constant 0 : i32
    %dma_start3A_114 = arith.constant 0 : i32
    %dma_start3A_115 = tpu.memref_slice %arg12[%dma_start3A_113, %dma_start3A_114] : memref<10240x64xf32, #tpu.memory_space<vmem_shared>> -> memref<10240x64xf32, #tpu.memory_space<vmem_shared>>
    tpu.enqueue_indirect_dma source(%dma_start3A_115 : memref<10240x64xf32, #tpu.memory_space<vmem_shared>>) target(%arg9 : memref<128x64xf32, #tpu.memory_space<vmem>>) offsets(%dma_start3A_112 : memref<128xi32, #tpu.memory_space<vmem>>) semaphore(%arg13 : memref<!tpu.dma_semaphore, #tpu.memory_space<semaphore_mem>>)
    %dma_wait3A_116 = arith.constant 80 : i32
    %dma_wait3A_117 = arith.constant 0 : i32
    %dma_wait3A_118 = tpu.memref_slice %arg7[%dma_wait3A_116, %dma_wait3A_117] : memref<81x128xi32, #tpu.memory_space<vmem>> -> memref<1x128xi32, #tpu.memory_space<vmem>>
    %dma_wait3A_119 = tpu.memref_squeeze %dma_wait3A_118 : memref<1x128xi32, #tpu.memory_space<vmem>> -> memref<128xi32, #tpu.memory_space<vmem>>
    %dma_wait3A_120 = arith.constant 0 : i32
    %dma_wait3A_121 = arith.constant 0 : i32
    %dma_wait3A_122 = tpu.memref_slice %arg12[%dma_wait3A_120, %dma_wait3A_121] : memref<10240x64xf32, #tpu.memory_space<vmem_shared>> -> memref<10240x64xf32, #tpu.memory_space<vmem_shared>>
    tpu.wait_indirect_dma semaphore(%arg13 : memref<!tpu.dma_semaphore, #tpu.memory_space<semaphore_mem>>) src(%dma_wait3A_122 : memref<10240x64xf32, #tpu.memory_space<vmem_shared>>) dst(%arg9 : memref<128x64xf32, #tpu.memory_space<vmem>>)
    %dma_start3A_123 = arith.constant 80 : i32
    %dma_start3A_124 = arith.constant 0 : i32
    %dma_start3A_125 = tpu.memref_slice %arg8[%dma_start3A_123, %dma_start3A_124] : memref<81x128xi32, #tpu.memory_space<vmem>> -> memref<1x128xi32, #tpu.memory_space<vmem>>
    %dma_start3A_126 = tpu.memref_squeeze %dma_start3A_125 : memref<1x128xi32, #tpu.memory_space<vmem>> -> memref<128xi32, #tpu.memory_space<vmem>>
    %dma_start3A_127 = arith.constant 0 : i32
    %dma_start3A_128 = arith.constant 0 : i32
    %dma_start3A_129 = tpu.memref_slice %arg11[%dma_start3A_127, %dma_start3A_128] : memref<10240x64xf32, #tpu.memory_space<vmem_shared>> -> memref<10240x64xf32, #tpu.memory_space<vmem_shared>>
    tpu.enqueue_indirect_dma source(%arg9 : memref<128x64xf32, #tpu.memory_space<vmem>>) target(%dma_start3A_129 : memref<10240x64xf32, #tpu.memory_space<vmem_shared>>) offsets(%dma_start3A_126 : memref<128xi32, #tpu.memory_space<vmem>>) semaphore(%arg15 : memref<!tpu.dma_semaphore, #tpu.memory_space<semaphore_mem>>) {add = true}
    %dma_wait3A_130 = arith.constant 80 : i32
    %dma_wait3A_131 = arith.constant 0 : i32
    %dma_wait3A_132 = tpu.memref_slice %arg8[%dma_wait3A_130, %dma_wait3A_131] : memref<81x128xi32, #tpu.memory_space<vmem>> -> memref<1x128xi32, #tpu.memory_space<vmem>>
    %dma_wait3A_133 = tpu.memref_squeeze %dma_wait3A_132 : memref<1x128xi32, #tpu.memory_space<vmem>> -> memref<128xi32, #tpu.memory_space<vmem>>
    %dma_wait3A_134 = arith.constant 0 : i32
    %dma_wait3A_135 = arith.constant 0 : i32
    %dma_wait3A_136 = tpu.memref_slice %arg11[%dma_wait3A_134, %dma_wait3A_135] : memref<10240x64xf32, #tpu.memory_space<vmem_shared>> -> memref<10240x64xf32, #tpu.memory_space<vmem_shared>>
    tpu.wait_indirect_dma semaphore(%arg15 : memref<!tpu.dma_semaphore, #tpu.memory_space<semaphore_mem>>) src(%arg9 : memref<128x64xf32, #tpu.memory_space<vmem>>) dst(%dma_wait3A_136 : memref<10240x64xf32, #tpu.memory_space<vmem_shared>>)
    %dma_wait3A_137 = arith.constant 79 : i32
    %dma_wait3A_138 = arith.constant 0 : i32
    %dma_wait3A_139 = tpu.memref_slice %arg8[%dma_wait3A_137, %dma_wait3A_138] : memref<81x128xi32, #tpu.memory_space<vmem>> -> memref<1x128xi32, #tpu.memory_space<vmem>>
    %dma_wait3A_140 = tpu.memref_squeeze %dma_wait3A_139 : memref<1x128xi32, #tpu.memory_space<vmem>> -> memref<128xi32, #tpu.memory_space<vmem>>
    %dma_wait3A_141 = arith.constant 0 : i32
    %dma_wait3A_142 = arith.constant 0 : i32
    %dma_wait3A_143 = tpu.memref_slice %arg11[%dma_wait3A_141, %dma_wait3A_142] : memref<10240x64xf32, #tpu.memory_space<vmem_shared>> -> memref<10240x64xf32, #tpu.memory_space<vmem_shared>>
    tpu.wait_indirect_dma semaphore(%arg16 : memref<!tpu.dma_semaphore, #tpu.memory_space<semaphore_mem>>) src(%arg10 : memref<128x64xf32, #tpu.memory_space<vmem>>) dst(%dma_wait3A_143 : memref<10240x64xf32, #tpu.memory_space<vmem_shared>>)
    %barrier3A_144 = arith.constant 0 : index
    tpu.barrier barrier_id(%barrier3A_144)
    %mul3A_145 = arith.constant 640 : i32
    %mul3A_146 = arith.muli %arg1, %mul3A_145 : i32
    %mul3A_147 = arith.constant 640 : i32
    %mul3A_148 = arith.muli %arg1, %mul3A_147 : i32
    "tpu.region"() ({
      %run_scoped3A = tpu.sem_alloc : memref<!tpu.dma_semaphore, #tpu.memory_space<semaphore_mem>>
      %dma_start3A_149 = arith.constant 0 : i32
      %dma_start3A_150 = tpu.memref_slice %arg6[%arg0, %mul3A_148, %dma_start3A_149] : memref<2x10240x64xf32, #tpu.memory_space<hbm>> -> memref<1x640x64xf32, #tpu.memory_space<hbm>>
      %dma_start3A_151 = tpu.memref_squeeze %dma_start3A_150 : memref<1x640x64xf32, #tpu.memory_space<hbm>> -> memref<640x64xf32, #tpu.memory_space<hbm>>
      %dma_start3A_152 = arith.constant 0 : i32
      %dma_start3A_153 = tpu.memref_slice %arg11[%mul3A_146, %dma_start3A_152] : memref<10240x64xf32, #tpu.memory_space<vmem_shared>> -> memref<640x64xf32, #tpu.memory_space<vmem_shared>>
      tpu.enqueue_dma source(%dma_start3A_153 : memref<640x64xf32, #tpu.memory_space<vmem_shared>>) target(%dma_start3A_151 : memref<640x64xf32, #tpu.memory_space<hbm>>) target_semaphore(%run_scoped3A : memref<!tpu.dma_semaphore, #tpu.memory_space<semaphore_mem>>)
      %dma_wait3A_154 = arith.constant 0 : i32
      %dma_wait3A_155 = tpu.memref_slice %arg6[%arg0, %mul3A_148, %dma_wait3A_154] : memref<2x10240x64xf32, #tpu.memory_space<hbm>> -> memref<1x640x64xf32, #tpu.memory_space<hbm>>
      %dma_wait3A_156 = tpu.memref_squeeze %dma_wait3A_155 : memref<1x640x64xf32, #tpu.memory_space<hbm>> -> memref<640x64xf32, #tpu.memory_space<hbm>>
      %dma_wait3A_157 = arith.constant 0 : i32
      %dma_wait3A_158 = tpu.memref_slice %arg11[%mul3A_146, %dma_wait3A_157] : memref<10240x64xf32, #tpu.memory_space<vmem_shared>> -> memref<640x64xf32, #tpu.memory_space<vmem_shared>>
      tpu.wait_dma2 semaphore(%run_scoped3A : memref<!tpu.dma_semaphore, #tpu.memory_space<semaphore_mem>>) src(%dma_wait3A_158 : memref<640x64xf32, #tpu.memory_space<vmem_shared>>) dst(%dma_wait3A_156 : memref<640x64xf32, #tpu.memory_space<hbm>>)
      tpu.yield
    }) : () -> ()
    return
  }
}

module attributes {stable_mosaic.version = 14 : i64} {
  func.func @_pre_body(%arg0: memref<5000x256xf32, #tpu.memory_space<vmem>>, %arg1: memref<256x64xf32, #tpu.memory_space<vmem>>, %arg2: memref<1x64xf32, #tpu.memory_space<vmem>>, %arg3: memref<5000x64xf32, #tpu.memory_space<vmem>>, %arg4: memref<5120x128xf32, #tpu.memory_space<vmem>>) attributes {dimension_semantics = [], scalar_prefetch = 0 : i64, scratch_operands = 0 : i64, tpu.core_type = #tpu.core_type<tc>} {
    %get3A = arith.constant 0 : index
    %get3A_0 = arith.constant 0 : index
    %get3A_1 = vector.load %arg0[%get3A, %get3A_0] : memref<5000x256xf32, #tpu.memory_space<vmem>>, vector<5000x256xf32>
    %get3A_2 = arith.constant 0 : index
    %get3A_3 = arith.constant 0 : index
    %get3A_4 = vector.load %arg1[%get3A_2, %get3A_3] : memref<256x64xf32, #tpu.memory_space<vmem>>, vector<256x64xf32>
    %dot_general3A = arith.constant dense<0.000000e+00> : vector<5000x64xf32>
    %dot_general3A_5 = tpu.matmul %get3A_1, %get3A_4, %dot_general3A {dimension_numbers = #tpu.dot_dimension_numbers<[1], [0], [0], [1], [0, 0, 1, 1], [], []>, transpose_lhs_hint = false} : vector<5000x256xf32>, vector<256x64xf32>, vector<5000x64xf32> -> vector<5000x64xf32>
    %get3A_6 = arith.constant 0 : index
    %get3A_7 = arith.constant 0 : index
    %get3A_8 = vector.load %arg2[%get3A_6, %get3A_7] : memref<1x64xf32, #tpu.memory_space<vmem>>, vector<1x64xf32>
    %add3A = vector.broadcast %get3A_8 : vector<1x64xf32> to vector<5000x64xf32>
    %add3A_9 = arith.addf %dot_general3A_5, %add3A : vector<5000x64xf32>
    %swap3A = arith.constant 0 : index
    %swap3A_10 = arith.constant 0 : index
    %swap3A_11 = vector.load %arg3[%swap3A, %swap3A_10] : memref<5000x64xf32, #tpu.memory_space<vmem>>, vector<5000x64xf32>
    tpu.vector_store %arg3[%swap3A, %swap3A_10], %add3A_9 {strides = array<i32>} : memref<5000x64xf32, #tpu.memory_space<vmem>>, vector<5000x64xf32>,
    %max3A = arith.constant 0.000000e+00 : f32
    %max3A_12 = vector.broadcast %max3A : f32 to vector<5000x64xf32>
    %max3A_13 = arith.maximumf %add3A_9, %max3A_12 : vector<5000x64xf32>
    %add3A_14 = arith.constant 1.000000e-07 : f32
    %add3A_15 = vector.broadcast %add3A_14 : f32 to vector<5000x64xf32>
    %add3A_16 = arith.addf %max3A_13, %add3A_15 : vector<5000x64xf32>
    %reduce_max3A = vector.shape_cast %add3A_16 : vector<5000x64xf32> to vector<1x5000x64xf32>
    %reduce_max3A_17 = arith.constant dense<0xFF800000> : vector<1xf32>
    %reduce_max3A_18 = vector.multi_reduction <maximumf>, %reduce_max3A, %reduce_max3A_17 [1, 2] : vector<1x5000x64xf32> to vector<1xf32>
    %reduce_max3A_19 = vector.shape_cast %reduce_max3A_18 : vector<1xf32> to vector<1x1x1xf32>
    %reduce_max3A_20 = vector.extract %reduce_max3A_19[0, 0, 0] : f32 from vector<1x1x1xf32>
    %sub3A = vector.broadcast %reduce_max3A_20 : f32 to vector<5000x64xf32>
    %sub3A_21 = arith.subf %add3A_16, %sub3A : vector<5000x64xf32>
    %exp3A = math.exp %sub3A_21 : vector<5000x64xf32>
    %mul3A = arith.mulf %exp3A, %add3A_16 : vector<5000x64xf32>
    %slice3A = vector.extract_strided_slice %exp3A {offsets = [0, 0], sizes = [5000, 32], strides = [1, 1]} : vector<5000x64xf32> to vector<5000x32xf32>
    %slice3A_22 = vector.extract_strided_slice %mul3A {offsets = [0, 0], sizes = [5000, 32], strides = [1, 1]} : vector<5000x64xf32> to vector<5000x32xf32>
    %slice3A_23 = vector.extract_strided_slice %exp3A {offsets = [0, 32], sizes = [5000, 32], strides = [1, 1]} : vector<5000x64xf32> to vector<5000x32xf32>
    %slice3A_24 = vector.extract_strided_slice %mul3A {offsets = [0, 32], sizes = [5000, 32], strides = [1, 1]} : vector<5000x64xf32> to vector<5000x32xf32>
    %concatenate3A = tpu.concatenate %slice3A, %slice3A_22, %slice3A_23, %slice3A_24 in 1 : vector<5000x32xf32>, vector<5000x32xf32>, vector<5000x32xf32>, vector<5000x32xf32> -> vector<5000x128xf32>
    %swap3A_25 = arith.constant 0 : index
    %swap3A_26 = arith.constant 0 : index
    %swap3A_27 = vector.load %arg4[%swap3A_25, %swap3A_26] : memref<5120x128xf32, #tpu.memory_space<vmem>>, vector<5000x128xf32>
    tpu.vector_store %arg4[%swap3A_25, %swap3A_26], %concatenate3A {strides = array<i32>} : memref<5120x128xf32, #tpu.memory_space<vmem>>, vector<5000x128xf32>,
    %broadcast_in_dim3A = arith.constant 0.000000e+00 : f32
    %broadcast_in_dim3A_28 = vector.broadcast %broadcast_in_dim3A : f32 to vector<120x128xf32>
    %swap3A_29 = arith.constant 5000 : index
    %swap3A_30 = arith.constant 0 : index
    %swap3A_31 = vector.load %arg4[%swap3A_29, %swap3A_30] : memref<5120x128xf32, #tpu.memory_space<vmem>>, vector<120x128xf32>
    tpu.vector_store %arg4[%swap3A_29, %swap3A_30], %broadcast_in_dim3A_28 {strides = array<i32>} : memref<5120x128xf32, #tpu.memory_space<vmem>>, vector<120x128xf32>,
    return
  }
}

module attributes {stable_mosaic.version = 14 : i64} {
  func.func @_mid_body(%arg0: memref<2x5120x128xf32, #tpu.memory_space<vmem>>, %arg1: memref<5000x64xf32, #tpu.memory_space<vmem>>, %arg2: memref<64x128xf32, #tpu.memory_space<vmem>>, %arg3: memref<1x128xf32, #tpu.memory_space<vmem>>, %arg4: memref<1x128xf32, #tpu.memory_space<vmem>>, %arg5: memref<1x128xf32, #tpu.memory_space<vmem>>, %arg6: memref<128x64xf32, #tpu.memory_space<vmem>>, %arg7: memref<1x64xf32, #tpu.memory_space<vmem>>, %arg8: memref<5000x64xf32, #tpu.memory_space<vmem>>, %arg9: memref<5120x128xf32, #tpu.memory_space<vmem>>) attributes {dimension_semantics = [], scalar_prefetch = 0 : i64, scratch_operands = 0 : i64, tpu.core_type = #tpu.core_type<tc>} {
    %get3A = arith.constant 0 : index
    %get3A_0 = arith.constant 0 : index
    %get3A_1 = arith.constant 0 : index
    %get3A_2 = vector.load %arg0[%get3A, %get3A_0, %get3A_1] : memref<2x5120x128xf32, #tpu.memory_space<vmem>>, vector<2x5120x128xf32>
    %get3A_3 = arith.constant 0 : index
    %get3A_4 = arith.constant 0 : index
    %get3A_5 = vector.load %arg1[%get3A_3, %get3A_4] : memref<5000x64xf32, #tpu.memory_space<vmem>>, vector<5000x64xf32>
    %get3A_6 = arith.constant 0 : index
    %get3A_7 = arith.constant 0 : index
    %get3A_8 = vector.load %arg2[%get3A_6, %get3A_7] : memref<64x128xf32, #tpu.memory_space<vmem>>, vector<64x128xf32>
    %get3A_9 = arith.constant 0 : index
    %get3A_10 = arith.constant 0 : index
    %get3A_11 = vector.load %arg3[%get3A_9, %get3A_10] : memref<1x128xf32, #tpu.memory_space<vmem>>, vector<1x128xf32>
    %get3A_12 = arith.constant 0 : index
    %get3A_13 = arith.constant 0 : index
    %get3A_14 = vector.load %arg4[%get3A_12, %get3A_13] : memref<1x128xf32, #tpu.memory_space<vmem>>, vector<1x128xf32>
    %get3A_15 = arith.constant 0 : index
    %get3A_16 = arith.constant 0 : index
    %get3A_17 = vector.load %arg5[%get3A_15, %get3A_16] : memref<1x128xf32, #tpu.memory_space<vmem>>, vector<1x128xf32>
    %get3A_18 = arith.constant 0 : index
    %get3A_19 = arith.constant 0 : index
    %get3A_20 = vector.load %arg6[%get3A_18, %get3A_19] : memref<128x64xf32, #tpu.memory_space<vmem>>, vector<128x64xf32>
    %get3A_21 = arith.constant 0 : index
    %get3A_22 = arith.constant 0 : index
    %get3A_23 = vector.load %arg7[%get3A_21, %get3A_22] : memref<1x64xf32, #tpu.memory_space<vmem>>, vector<1x64xf32>
    %slice3A = vector.extract_strided_slice %get3A_2 {offsets = [0, 0, 0], sizes = [1, 5000, 128], strides = [1, 1, 1]} : vector<2x5120x128xf32> to vector<1x5000x128xf32>
    %squeeze3A = vector.shape_cast %slice3A : vector<1x5000x128xf32> to vector<5000x128xf32>
    %slice3A_24 = vector.extract_strided_slice %get3A_2 {offsets = [1, 0, 0], sizes = [1, 5000, 128], strides = [1, 1, 1]} : vector<2x5120x128xf32> to vector<1x5000x128xf32>
    %squeeze3A_25 = vector.shape_cast %slice3A_24 : vector<1x5000x128xf32> to vector<5000x128xf32>
    %add3A = arith.addf %squeeze3A, %squeeze3A_25 : vector<5000x128xf32>
    %slice3A_26 = vector.extract_strided_slice %add3A {offsets = [0, 0], sizes = [5000, 32], strides = [1, 1]} : vector<5000x128xf32> to vector<5000x32xf32>
    %slice3A_27 = vector.extract_strided_slice %add3A {offsets = [0, 64], sizes = [5000, 32], strides = [1, 1]} : vector<5000x128xf32> to vector<5000x32xf32>
    %concatenate3A = tpu.concatenate %slice3A_26, %slice3A_27 in 1 : vector<5000x32xf32>, vector<5000x32xf32> -> vector<5000x64xf32>
    %slice3A_28 = vector.extract_strided_slice %add3A {offsets = [0, 32], sizes = [5000, 32], strides = [1, 1]} : vector<5000x128xf32> to vector<5000x32xf32>
    %slice3A_29 = vector.extract_strided_slice %add3A {offsets = [0, 96], sizes = [5000, 32], strides = [1, 1]} : vector<5000x128xf32> to vector<5000x32xf32>
    %concatenate3A_30 = tpu.concatenate %slice3A_28, %slice3A_29 in 1 : vector<5000x32xf32>, vector<5000x32xf32> -> vector<5000x64xf32>
    %add3A_31 = arith.constant 1.000000e-30 : f32
    %add3A_32 = vector.broadcast %add3A_31 : f32 to vector<5000x64xf32>
    %add3A_33 = arith.addf %concatenate3A, %add3A_32 : vector<5000x64xf32>
    %div3A = arith.divf %concatenate3A_30, %add3A_33 : vector<5000x64xf32>
    %add3A_34 = arith.addf %div3A, %get3A_5 : vector<5000x64xf32>
    %dot_general3A = arith.constant dense<0.000000e+00> : vector<5000x128xf32>
    %dot_general3A_35 = tpu.matmul %add3A_34, %get3A_8, %dot_general3A {dimension_numbers = #tpu.dot_dimension_numbers<[1], [0], [0], [1], [0, 0, 1, 1], [], []>, transpose_lhs_hint = false} : vector<5000x64xf32>, vector<64x128xf32>, vector<5000x128xf32> -> vector<5000x128xf32>
    %add3A_36 = vector.broadcast %get3A_11 : vector<1x128xf32> to vector<5000x128xf32>
    %add3A_37 = arith.addf %dot_general3A_35, %add3A_36 : vector<5000x128xf32>
    %reduce_sum3A = arith.constant dense<0.000000e+00> : vector<128xf32>
    %reduce_sum3A_38 = vector.multi_reduction <add>, %add3A_37, %reduce_sum3A [0] : vector<5000x128xf32> to vector<128xf32>
    %broadcast_in_dim3A = vector.shape_cast %reduce_sum3A_38 : vector<128xf32> to vector<1x128xf32>
    %div3A_39 = arith.constant 5.000000e+03 : f32
    %div3A_40 = vector.broadcast %div3A_39 : f32 to vector<1x128xf32>
    %div3A_41 = arith.divf %broadcast_in_dim3A, %div3A_40 : vector<1x128xf32>
    %slice3A_42 = vector.extract_strided_slice %div3A_41 {offsets = [0, 0], sizes = [1, 64], strides = [1, 1]} : vector<1x128xf32> to vector<1x64xf32>
    %slice3A_43 = vector.extract_strided_slice %div3A_41 {offsets = [0, 64], sizes = [1, 64], strides = [1, 1]} : vector<1x128xf32> to vector<1x64xf32>
    %add3A_44 = arith.addf %slice3A_42, %slice3A_43 : vector<1x64xf32>
    %mul3A = arith.constant 5.000000e-01 : f32
    %mul3A_45 = vector.broadcast %mul3A : f32 to vector<1x64xf32>
    %mul3A_46 = arith.mulf %add3A_44, %mul3A_45 : vector<1x64xf32>
    %concatenate3A_47 = tpu.concatenate %mul3A_46, %mul3A_46 in 1 : vector<1x64xf32>, vector<1x64xf32> -> vector<1x128xf32>
    %sub3A = vector.broadcast %concatenate3A_47 : vector<1x128xf32> to vector<5000x128xf32>
    %sub3A_48 = arith.subf %add3A_37, %sub3A : vector<5000x128xf32>
    %mul3A_49 = arith.mulf %sub3A_48, %sub3A_48 : vector<5000x128xf32>
    %reduce_sum3A_50 = arith.constant dense<0.000000e+00> : vector<128xf32>
    %reduce_sum3A_51 = vector.multi_reduction <add>, %mul3A_49, %reduce_sum3A_50 [0] : vector<5000x128xf32> to vector<128xf32>
    %broadcast_in_dim3A_52 = vector.shape_cast %reduce_sum3A_51 : vector<128xf32> to vector<1x128xf32>
    %div3A_53 = arith.constant 5.000000e+03 : f32
    %div3A_54 = vector.broadcast %div3A_53 : f32 to vector<1x128xf32>
    %div3A_55 = arith.divf %broadcast_in_dim3A_52, %div3A_54 : vector<1x128xf32>
    %slice3A_56 = vector.extract_strided_slice %div3A_55 {offsets = [0, 0], sizes = [1, 64], strides = [1, 1]} : vector<1x128xf32> to vector<1x64xf32>
    %slice3A_57 = vector.extract_strided_slice %div3A_55 {offsets = [0, 64], sizes = [1, 64], strides = [1, 1]} : vector<1x128xf32> to vector<1x64xf32>
    %add3A_58 = arith.addf %slice3A_56, %slice3A_57 : vector<1x64xf32>
    %mul3A_59 = arith.constant 5.000000e-01 : f32
    %mul3A_60 = vector.broadcast %mul3A_59 : f32 to vector<1x64xf32>
    %mul3A_61 = arith.mulf %add3A_58, %mul3A_60 : vector<1x64xf32>
    %concatenate3A_62 = tpu.concatenate %mul3A_61, %mul3A_61 in 1 : vector<1x64xf32>, vector<1x64xf32> -> vector<1x128xf32>
    %add3A_63 = arith.constant 9.99999974E-6 : f32
    %add3A_64 = vector.broadcast %add3A_63 : f32 to vector<1x128xf32>
    %add3A_65 = arith.addf %concatenate3A_62, %add3A_64 : vector<1x128xf32>
    %sqrt3A = math.sqrt %add3A_65 : vector<1x128xf32>
    %div3A_66 = arith.divf %get3A_14, %sqrt3A : vector<1x128xf32>
    %mul3A_67 = vector.broadcast %div3A_66 : vector<1x128xf32> to vector<5000x128xf32>
    %mul3A_68 = arith.mulf %sub3A_48, %mul3A_67 : vector<5000x128xf32>
    %add3A_69 = vector.broadcast %get3A_17 : vector<1x128xf32> to vector<5000x128xf32>
    %add3A_70 = arith.addf %mul3A_68, %add3A_69 : vector<5000x128xf32>
    %max3A = arith.constant 0.000000e+00 : f32
    %max3A_71 = vector.broadcast %max3A : f32 to vector<5000x128xf32>
    %max3A_72 = arith.maximumf %add3A_70, %max3A_71 : vector<5000x128xf32>
    %dot_general3A_73 = arith.constant dense<0.000000e+00> : vector<5000x64xf32>
    %dot_general3A_74 = tpu.matmul %max3A_72, %get3A_20, %dot_general3A_73 {dimension_numbers = #tpu.dot_dimension_numbers<[1], [0], [0], [1], [0, 0, 1, 1], [], []>, transpose_lhs_hint = false} : vector<5000x128xf32>, vector<128x64xf32>, vector<5000x64xf32> -> vector<5000x64xf32>
    %add3A_75 = vector.broadcast %get3A_23 : vector<1x64xf32> to vector<5000x64xf32>
    %add3A_76 = arith.addf %dot_general3A_74, %add3A_75 : vector<5000x64xf32>
    %max3A_77 = arith.constant 0.000000e+00 : f32
    %max3A_78 = vector.broadcast %max3A_77 : f32 to vector<5000x64xf32>
    %max3A_79 = arith.maximumf %add3A_76, %max3A_78 : vector<5000x64xf32>
    %swap3A = arith.constant 0 : index
    %swap3A_80 = arith.constant 0 : index
    %swap3A_81 = vector.load %arg8[%swap3A, %swap3A_80] : memref<5000x64xf32, #tpu.memory_space<vmem>>, vector<5000x64xf32>
    tpu.vector_store %arg8[%swap3A, %swap3A_80], %max3A_79 {strides = array<i32>} : memref<5000x64xf32, #tpu.memory_space<vmem>>, vector<5000x64xf32>,
    %max3A_82 = arith.constant 0.000000e+00 : f32
    %max3A_83 = vector.broadcast %max3A_82 : f32 to vector<5000x64xf32>
    %max3A_84 = arith.maximumf %max3A_79, %max3A_83 : vector<5000x64xf32>
    %add3A_85 = arith.constant 1.000000e-07 : f32
    %add3A_86 = vector.broadcast %add3A_85 : f32 to vector<5000x64xf32>
    %add3A_87 = arith.addf %max3A_84, %add3A_86 : vector<5000x64xf32>
    %reduce_max3A = vector.shape_cast %add3A_87 : vector<5000x64xf32> to vector<1x5000x64xf32>
    %reduce_max3A_88 = arith.constant dense<0xFF800000> : vector<1xf32>
    %reduce_max3A_89 = vector.multi_reduction <maximumf>, %reduce_max3A, %reduce_max3A_88 [1, 2] : vector<1x5000x64xf32> to vector<1xf32>
    %reduce_max3A_90 = vector.shape_cast %reduce_max3A_89 : vector<1xf32> to vector<1x1x1xf32>
    %reduce_max3A_91 = vector.extract %reduce_max3A_90[0, 0, 0] : f32 from vector<1x1x1xf32>
    %sub3A_92 = vector.broadcast %reduce_max3A_91 : f32 to vector<5000x64xf32>
    %sub3A_93 = arith.subf %add3A_87, %sub3A_92 : vector<5000x64xf32>
    %exp3A = math.exp %sub3A_93 : vector<5000x64xf32>
    %mul3A_94 = arith.mulf %exp3A, %add3A_87 : vector<5000x64xf32>
    %slice3A_95 = vector.extract_strided_slice %exp3A {offsets = [0, 0], sizes = [5000, 32], strides = [1, 1]} : vector<5000x64xf32> to vector<5000x32xf32>
    %slice3A_96 = vector.extract_strided_slice %mul3A_94 {offsets = [0, 0], sizes = [5000, 32], strides = [1, 1]} : vector<5000x64xf32> to vector<5000x32xf32>
    %slice3A_97 = vector.extract_strided_slice %exp3A {offsets = [0, 32], sizes = [5000, 32], strides = [1, 1]} : vector<5000x64xf32> to vector<5000x32xf32>
    %slice3A_98 = vector.extract_strided_slice %mul3A_94 {offsets = [0, 32], sizes = [5000, 32], strides = [1, 1]} : vector<5000x64xf32> to vector<5000x32xf32>
    %concatenate3A_99 = tpu.concatenate %slice3A_95, %slice3A_96, %slice3A_97, %slice3A_98 in 1 : vector<5000x32xf32>, vector<5000x32xf32>, vector<5000x32xf32>, vector<5000x32xf32> -> vector<5000x128xf32>
    %swap3A_100 = arith.constant 0 : index
    %swap3A_101 = arith.constant 0 : index
    %swap3A_102 = vector.load %arg9[%swap3A_100, %swap3A_101] : memref<5120x128xf32, #tpu.memory_space<vmem>>, vector<5000x128xf32>
    tpu.vector_store %arg9[%swap3A_100, %swap3A_101], %concatenate3A_99 {strides = array<i32>} : memref<5120x128xf32, #tpu.memory_space<vmem>>, vector<5000x128xf32>,
    %broadcast_in_dim3A_103 = arith.constant 0.000000e+00 : f32
    %broadcast_in_dim3A_104 = vector.broadcast %broadcast_in_dim3A_103 : f32 to vector<120x128xf32>
    %swap3A_105 = arith.constant 5000 : index
    %swap3A_106 = arith.constant 0 : index
    %swap3A_107 = vector.load %arg9[%swap3A_105, %swap3A_106] : memref<5120x128xf32, #tpu.memory_space<vmem>>, vector<120x128xf32>
    tpu.vector_store %arg9[%swap3A_105, %swap3A_106], %broadcast_in_dim3A_104 {strides = array<i32>} : memref<5120x128xf32, #tpu.memory_space<vmem>>, vector<120x128xf32>,
    return
  }
}

module attributes {stable_mosaic.version = 14 : i64} {
  func.func @_last_body(%arg0: memref<2x5120x128xf32, #tpu.memory_space<vmem>>, %arg1: memref<5000x64xf32, #tpu.memory_space<vmem>>, %arg2: memref<64x128xf32, #tpu.memory_space<vmem>>, %arg3: memref<1x128xf32, #tpu.memory_space<vmem>>, %arg4: memref<1x128xf32, #tpu.memory_space<vmem>>, %arg5: memref<1x128xf32, #tpu.memory_space<vmem>>, %arg6: memref<128x64xf32, #tpu.memory_space<vmem>>, %arg7: memref<1x64xf32, #tpu.memory_space<vmem>>, %arg8: memref<64x256xf32, #tpu.memory_space<vmem>>, %arg9: memref<1x256xf32, #tpu.memory_space<vmem>>, %arg10: memref<5000x256xf32, #tpu.memory_space<vmem>>) attributes {dimension_semantics = [], scalar_prefetch = 0 : i64, scratch_operands = 0 : i64, tpu.core_type = #tpu.core_type<tc>} {
    %get3A = arith.constant 0 : index
    %get3A_0 = arith.constant 0 : index
    %get3A_1 = arith.constant 0 : index
    %get3A_2 = vector.load %arg0[%get3A, %get3A_0, %get3A_1] : memref<2x5120x128xf32, #tpu.memory_space<vmem>>, vector<2x5120x128xf32>
    %get3A_3 = arith.constant 0 : index
    %get3A_4 = arith.constant 0 : index
    %get3A_5 = vector.load %arg1[%get3A_3, %get3A_4] : memref<5000x64xf32, #tpu.memory_space<vmem>>, vector<5000x64xf32>
    %get3A_6 = arith.constant 0 : index
    %get3A_7 = arith.constant 0 : index
    %get3A_8 = vector.load %arg2[%get3A_6, %get3A_7] : memref<64x128xf32, #tpu.memory_space<vmem>>, vector<64x128xf32>
    %get3A_9 = arith.constant 0 : index
    %get3A_10 = arith.constant 0 : index
    %get3A_11 = vector.load %arg3[%get3A_9, %get3A_10] : memref<1x128xf32, #tpu.memory_space<vmem>>, vector<1x128xf32>
    %get3A_12 = arith.constant 0 : index
    %get3A_13 = arith.constant 0 : index
    %get3A_14 = vector.load %arg4[%get3A_12, %get3A_13] : memref<1x128xf32, #tpu.memory_space<vmem>>, vector<1x128xf32>
    %get3A_15 = arith.constant 0 : index
    %get3A_16 = arith.constant 0 : index
    %get3A_17 = vector.load %arg5[%get3A_15, %get3A_16] : memref<1x128xf32, #tpu.memory_space<vmem>>, vector<1x128xf32>
    %get3A_18 = arith.constant 0 : index
    %get3A_19 = arith.constant 0 : index
    %get3A_20 = vector.load %arg6[%get3A_18, %get3A_19] : memref<128x64xf32, #tpu.memory_space<vmem>>, vector<128x64xf32>
    %get3A_21 = arith.constant 0 : index
    %get3A_22 = arith.constant 0 : index
    %get3A_23 = vector.load %arg7[%get3A_21, %get3A_22] : memref<1x64xf32, #tpu.memory_space<vmem>>, vector<1x64xf32>
    %slice3A = vector.extract_strided_slice %get3A_2 {offsets = [0, 0, 0], sizes = [1, 5000, 128], strides = [1, 1, 1]} : vector<2x5120x128xf32> to vector<1x5000x128xf32>
    %squeeze3A = vector.shape_cast %slice3A : vector<1x5000x128xf32> to vector<5000x128xf32>
    %slice3A_24 = vector.extract_strided_slice %get3A_2 {offsets = [1, 0, 0], sizes = [1, 5000, 128], strides = [1, 1, 1]} : vector<2x5120x128xf32> to vector<1x5000x128xf32>
    %squeeze3A_25 = vector.shape_cast %slice3A_24 : vector<1x5000x128xf32> to vector<5000x128xf32>
    %add3A = arith.addf %squeeze3A, %squeeze3A_25 : vector<5000x128xf32>
    %slice3A_26 = vector.extract_strided_slice %add3A {offsets = [0, 0], sizes = [5000, 32], strides = [1, 1]} : vector<5000x128xf32> to vector<5000x32xf32>
    %slice3A_27 = vector.extract_strided_slice %add3A {offsets = [0, 64], sizes = [5000, 32], strides = [1, 1]} : vector<5000x128xf32> to vector<5000x32xf32>
    %concatenate3A = tpu.concatenate %slice3A_26, %slice3A_27 in 1 : vector<5000x32xf32>, vector<5000x32xf32> -> vector<5000x64xf32>
    %slice3A_28 = vector.extract_strided_slice %add3A {offsets = [0, 32], sizes = [5000, 32], strides = [1, 1]} : vector<5000x128xf32> to vector<5000x32xf32>
    %slice3A_29 = vector.extract_strided_slice %add3A {offsets = [0, 96], sizes = [5000, 32], strides = [1, 1]} : vector<5000x128xf32> to vector<5000x32xf32>
    %concatenate3A_30 = tpu.concatenate %slice3A_28, %slice3A_29 in 1 : vector<5000x32xf32>, vector<5000x32xf32> -> vector<5000x64xf32>
    %add3A_31 = arith.constant 1.000000e-30 : f32
    %add3A_32 = vector.broadcast %add3A_31 : f32 to vector<5000x64xf32>
    %add3A_33 = arith.addf %concatenate3A, %add3A_32 : vector<5000x64xf32>
    %div3A = arith.divf %concatenate3A_30, %add3A_33 : vector<5000x64xf32>
    %add3A_34 = arith.addf %div3A, %get3A_5 : vector<5000x64xf32>
    %dot_general3A = arith.constant dense<0.000000e+00> : vector<5000x128xf32>
    %dot_general3A_35 = tpu.matmul %add3A_34, %get3A_8, %dot_general3A {dimension_numbers = #tpu.dot_dimension_numbers<[1], [0], [0], [1], [0, 0, 1, 1], [], []>, transpose_lhs_hint = false} : vector<5000x64xf32>, vector<64x128xf32>, vector<5000x128xf32> -> vector<5000x128xf32>
    %add3A_36 = vector.broadcast %get3A_11 : vector<1x128xf32> to vector<5000x128xf32>
    %add3A_37 = arith.addf %dot_general3A_35, %add3A_36 : vector<5000x128xf32>
    %reduce_sum3A = arith.constant dense<0.000000e+00> : vector<128xf32>
    %reduce_sum3A_38 = vector.multi_reduction <add>, %add3A_37, %reduce_sum3A [0] : vector<5000x128xf32> to vector<128xf32>
    %broadcast_in_dim3A = vector.shape_cast %reduce_sum3A_38 : vector<128xf32> to vector<1x128xf32>
    %div3A_39 = arith.constant 5.000000e+03 : f32
    %div3A_40 = vector.broadcast %div3A_39 : f32 to vector<1x128xf32>
    %div3A_41 = arith.divf %broadcast_in_dim3A, %div3A_40 : vector<1x128xf32>
    %slice3A_42 = vector.extract_strided_slice %div3A_41 {offsets = [0, 0], sizes = [1, 64], strides = [1, 1]} : vector<1x128xf32> to vector<1x64xf32>
    %slice3A_43 = vector.extract_strided_slice %div3A_41 {offsets = [0, 64], sizes = [1, 64], strides = [1, 1]} : vector<1x128xf32> to vector<1x64xf32>
    %add3A_44 = arith.addf %slice3A_42, %slice3A_43 : vector<1x64xf32>
    %mul3A = arith.constant 5.000000e-01 : f32
    %mul3A_45 = vector.broadcast %mul3A : f32 to vector<1x64xf32>
    %mul3A_46 = arith.mulf %add3A_44, %mul3A_45 : vector<1x64xf32>
    %concatenate3A_47 = tpu.concatenate %mul3A_46, %mul3A_46 in 1 : vector<1x64xf32>, vector<1x64xf32> -> vector<1x128xf32>
    %sub3A = vector.broadcast %concatenate3A_47 : vector<1x128xf32> to vector<5000x128xf32>
    %sub3A_48 = arith.subf %add3A_37, %sub3A : vector<5000x128xf32>
    %mul3A_49 = arith.mulf %sub3A_48, %sub3A_48 : vector<5000x128xf32>
    %reduce_sum3A_50 = arith.constant dense<0.000000e+00> : vector<128xf32>
    %reduce_sum3A_51 = vector.multi_reduction <add>, %mul3A_49, %reduce_sum3A_50 [0] : vector<5000x128xf32> to vector<128xf32>
    %broadcast_in_dim3A_52 = vector.shape_cast %reduce_sum3A_51 : vector<128xf32> to vector<1x128xf32>
    %div3A_53 = arith.constant 5.000000e+03 : f32
    %div3A_54 = vector.broadcast %div3A_53 : f32 to vector<1x128xf32>
    %div3A_55 = arith.divf %broadcast_in_dim3A_52, %div3A_54 : vector<1x128xf32>
    %slice3A_56 = vector.extract_strided_slice %div3A_55 {offsets = [0, 0], sizes = [1, 64], strides = [1, 1]} : vector<1x128xf32> to vector<1x64xf32>
    %slice3A_57 = vector.extract_strided_slice %div3A_55 {offsets = [0, 64], sizes = [1, 64], strides = [1, 1]} : vector<1x128xf32> to vector<1x64xf32>
    %add3A_58 = arith.addf %slice3A_56, %slice3A_57 : vector<1x64xf32>
    %mul3A_59 = arith.constant 5.000000e-01 : f32
    %mul3A_60 = vector.broadcast %mul3A_59 : f32 to vector<1x64xf32>
    %mul3A_61 = arith.mulf %add3A_58, %mul3A_60 : vector<1x64xf32>
    %concatenate3A_62 = tpu.concatenate %mul3A_61, %mul3A_61 in 1 : vector<1x64xf32>, vector<1x64xf32> -> vector<1x128xf32>
    %add3A_63 = arith.constant 9.99999974E-6 : f32
    %add3A_64 = vector.broadcast %add3A_63 : f32 to vector<1x128xf32>
    %add3A_65 = arith.addf %concatenate3A_62, %add3A_64 : vector<1x128xf32>
    %sqrt3A = math.sqrt %add3A_65 : vector<1x128xf32>
    %div3A_66 = arith.divf %get3A_14, %sqrt3A : vector<1x128xf32>
    %mul3A_67 = vector.broadcast %div3A_66 : vector<1x128xf32> to vector<5000x128xf32>
    %mul3A_68 = arith.mulf %sub3A_48, %mul3A_67 : vector<5000x128xf32>
    %add3A_69 = vector.broadcast %get3A_17 : vector<1x128xf32> to vector<5000x128xf32>
    %add3A_70 = arith.addf %mul3A_68, %add3A_69 : vector<5000x128xf32>
    %max3A = arith.constant 0.000000e+00 : f32
    %max3A_71 = vector.broadcast %max3A : f32 to vector<5000x128xf32>
    %max3A_72 = arith.maximumf %add3A_70, %max3A_71 : vector<5000x128xf32>
    %dot_general3A_73 = arith.constant dense<0.000000e+00> : vector<5000x64xf32>
    %dot_general3A_74 = tpu.matmul %max3A_72, %get3A_20, %dot_general3A_73 {dimension_numbers = #tpu.dot_dimension_numbers<[1], [0], [0], [1], [0, 0, 1, 1], [], []>, transpose_lhs_hint = false} : vector<5000x128xf32>, vector<128x64xf32>, vector<5000x64xf32> -> vector<5000x64xf32>
    %add3A_75 = vector.broadcast %get3A_23 : vector<1x64xf32> to vector<5000x64xf32>
    %add3A_76 = arith.addf %dot_general3A_74, %add3A_75 : vector<5000x64xf32>
    %max3A_77 = arith.constant 0.000000e+00 : f32
    %max3A_78 = vector.broadcast %max3A_77 : f32 to vector<5000x64xf32>
    %max3A_79 = arith.maximumf %add3A_76, %max3A_78 : vector<5000x64xf32>
    %get3A_80 = arith.constant 0 : index
    %get3A_81 = arith.constant 0 : index
    %get3A_82 = vector.load %arg8[%get3A_80, %get3A_81] : memref<64x256xf32, #tpu.memory_space<vmem>>, vector<64x256xf32>
    %dot_general3A_83 = arith.constant dense<0.000000e+00> : vector<5000x256xf32>
    %dot_general3A_84 = tpu.matmul %max3A_79, %get3A_82, %dot_general3A_83 {dimension_numbers = #tpu.dot_dimension_numbers<[1], [0], [0], [1], [0, 0, 1, 1], [], []>, transpose_lhs_hint = false} : vector<5000x64xf32>, vector<64x256xf32>, vector<5000x256xf32> -> vector<5000x256xf32>
    %get3A_85 = arith.constant 0 : index
    %get3A_86 = arith.constant 0 : index
    %get3A_87 = vector.load %arg9[%get3A_85, %get3A_86] : memref<1x256xf32, #tpu.memory_space<vmem>>, vector<1x256xf32>
    %add3A_88 = vector.broadcast %get3A_87 : vector<1x256xf32> to vector<5000x256xf32>
    %add3A_89 = arith.addf %dot_general3A_84, %add3A_88 : vector<5000x256xf32>
    %swap3A = arith.constant 0 : index
    %swap3A_90 = arith.constant 0 : index
    %swap3A_91 = vector.load %arg10[%swap3A, %swap3A_90] : memref<5000x256xf32, #tpu.memory_space<vmem>>, vector<5000x256xf32>
    tpu.vector_store %arg10[%swap3A, %swap3A_90], %add3A_89 {strides = array<i32>} : memref<5000x256xf32, #tpu.memory_space<vmem>>, vector<5000x256xf32>,
    return
  }
}

</mosaic_0001>

<sc_bundles>
// kernel: kernel.12.cloned.1.call-start
scs
__scs_entry_jumppad:
0x0: {  	(pc) =	sbr.rel $0x88, $3  }
0x1: {  	(tag) =	ssettag $0x0;
	lr =	simm.s32 $0x1  }
0x2: {  	[smem:$0x3F89] =	sst lr;
	_ =	strace $0xD0000000  }
0x3: {  	_ = 	snop  }
0x4: {  	_ = 	snop  }
0x5: {  	_ = 	snop  }
0x6: {  	_ = 	snop  }
0x7: {  	_ = 	snop  }
__scs_overlays_trampoline_lowered:
0x8: {  	[smem:$0x3F98] =	sst s0  }
0x9: {  	[smem:$0x3F99] =	sst s1  }
0xa: {  	[smem:$0x3F9A] =	sst s2  }
0xb: {  	[smem:$0x3F9B] =	sst s3  }
0xc: {  	[smem:$0x3F9C] =	sst s4  }
0xd: {  	[smem:$0x3F9D] =	sst s5  }
0xe: {  	[smem:$0x3F9E] =	sst s6  }
0xf: {  	[smem:$0x3F9F] =	sst s7  }
0x10: {  	[smem:$0x3FA0] =	sst s8  }
0x11: {  	[smem:$0x3FA1] =	sst s9;
	s0 =	simm.s32 @!p0 $0x0  }
0x12: {  	s1 =	sld [smem:$0x3F87];
	s0 =	simm.s32 @p0 $0x1  }
0x13: {  	[smem:$0x3FA2] =	sst s0;
	s0 =	simm.s32 @!p1 $0x0  }
0x14: {  	s2 =	sld [smem:$0x3F86];
	s0 =	simm.s32 @p1 $0x1  }
0x15: {  	[smem:$0x3FA3] =	sst s0;
	s0 =	simm.s32 @!p2 $0x0  }
0x16: {  	s3 =	sld [smem:$0x3FDB];
	s0 =	simm.s32 @p2 $0x1  }
0x17: {  	s4 =	simm.s32 $0x1BF5;
	[smem:$0x3FA5] =	sst s0  }
0x18: {  	s0 =	sld [smem:$0x3F88];
	_ =	swait.ge [sflag:s4], $0x0  }
0x19: {  	s7 =	sld [smem:$0x3F89]  }
0x1a: {  	s8 =	sadd.s32 $0xFFFFE003, lr  }
0x1b: {  	s9 =	sadd.s32 $0xFFFFFEF7, lr;
	s5 =	simm.s32 $0xFFFFFFFF;
	p2 =	slt.u32 s8, $0xFFFFF086  }
0x1c: {  	p1 =	slt.u32 s9, $0xF7A;
	s5 =	simm.s32 @!p2 $0x0  }
0x1d: {  	s5 =	simm.s32 @p1 $0x1;
	p0 =	seq.s32 s7, s2  }
0x1e: {  	s7 =	smul.u32 @!p0 $0xF7A, s2;
	p2 =	seq.s32 @!p0 s5, $0x0  }
0x1f: {  	s9 =	smul.u32 $0xF7A, s1;
	s8 =	simm.s32 @!p0 $0x1BF5;
	p2 =	por !p2, p0  }
0x20: {  	[sflag:s8] =	ssyncset.s32 @!p0 $0xFFFFF086;
	s6 =	sadd.s32 @!p0 s3, s7;
	s7 =	simm.s32 @!p0 $0x108  }
0x21: {  	s3 =	sadd.s32 s3, s9;
	s6 =	sadd.s32 @!p0 $0x88, s6;
	s7 =	simm.s32 @p2 $0x1082  }
0x22: {  	[simem:s7], [sflag:s8] =	dma.local @!p0 [hbm:s6], $0xF7A  }
0x23: {  	s9 =	sor.u32 $0xD0000000, s2;
	s6 =	simm.s32 $0x108;
	_ =	swait.ge @!p0 [sflag:s8], $0x0  }
0x24: {  	s3 =	sadd.s32 $0x88, s3;
	s6 =	simm.s32 @!p1 $0x1082;
	[sflag:s4] =	ssyncset.s32 $0xFFFFF086  }
0x25: {  	[simem:s6], [sflag:s4] =	dma.local [hbm:s3], $0xF7A  }
0x26: {  	[smem:$0x3F89] =	sst s1;
	(tag) =	ssettag s2;
	_ =	strace s9  }
0x27: {  	s1 =	sld [smem:$0x3F99]  }
0x28: {  	s2 =	sld [smem:$0x3F9A]  }
0x29: {  	s4 =	sld [smem:$0x3F9C]  }
0x2a: {  	p0 =	seq.s32 s5, $0x0;
	s5 =	sld [smem:$0x3F9D]  }
0x2b: {  	s6 =	sld [smem:$0x3F9E]  }
0x2c: {  	s7 =	sld [smem:$0x3F9F]  }
0x2d: {  	s3 =	simm.s32 $0x108;
	s8 =	sld [smem:$0x3FA0]  }
0x2e: {  	s3 =	simm.s32 @!p0 $0x1082;
	s9 =	sld [smem:$0x3FA1]  }
0x2f: {  	lr =	sadd.s32 s0, s3;
	s0 =	sld [smem:$0x3F98]  }
0x30: {  	s3 =	sld [smem:$0x3F9B]  }
0x31: {  	[smem:$0x3FA4] =	sst s10  }
0x32: {  	s10 =	sld [smem:$0x3FA2];
	_ =	sdelay $0x3  }
0x33: {  	p0 =	seq.s32 s10, $0x1;
	s10 =	sld [smem:$0x3FA4];
	_ =	sdelay $0x3  }
0x34: {  	[smem:$0x3FA4] =	sst s10  }
0x35: {  	s10 =	sld [smem:$0x3FA3];
	_ =	sdelay $0x3  }
0x36: {  	p1 =	seq.s32 s10, $0x1;
	s10 =	sld [smem:$0x3FA4];
	_ =	sdelay $0x3  }
0x37: {  	[smem:$0x3FA4] =	sst s10  }
0x38: {  	s10 =	sld [smem:$0x3FA5]  }
0x39: {  	_ = 	snop;
	(pc) =	sbr.ind lr, $3  }
0x3a: {  	_ = 	snop  }
0x3b: {  	_ = 	snop  }
0x3c: {  	p2 =	seq.s32 s10, $0x1;
	s10 =	sld [smem:$0x3FA4]  }
0x3d: {  	_ =	shalt  }
0x3e: {  	_ =	shalt  }
0x3f: {  	_ =	shalt  }
0x40: {  	_ =	shalt  }
0x41: {  	_ =	shalt  }
0x42: {  	_ =	shalt  }
0x43: {  	_ =	shalt  }
0x44: {  	_ =	shalt  }
0x45: {  	_ =	shalt  }
0x46: {  	_ =	shalt  }
0x47: {  	_ =	shalt  }
0x48: {  	_ =	shalt  }
0x49: {  	_ =	shalt  }
0x4a: {  	_ =	shalt  }
0x4b: {  	_ =	shalt  }
0x4c: {  	_ =	shalt  }
0x4d: {  	_ =	shalt  }
0x4e: {  	_ =	shalt  }
0x4f: {  	_ =	shalt  }
0x50: {  	_ =	shalt  }
0x51: {  	_ =	shalt  }
0x52: {  	_ =	shalt  }
0x53: {  	_ =	shalt  }
0x54: {  	_ =	shalt  }
0x55: {  	_ =	shalt  }
0x56: {  	_ =	shalt  }
0x57: {  	_ =	shalt  }
0x58: {  	_ =	shalt  }
0x59: {  	_ =	shalt  }
0x5a: {  	_ =	shalt  }
0x5b: {  	_ =	shalt  }
0x5c: {  	_ =	shalt  }
0x5d: {  	_ =	shalt  }
0x5e: {  	_ =	shalt  }
0x5f: {  	_ =	shalt  }
0x60: {  	_ =	shalt  }
0x61: {  	_ =	shalt  }
0x62: {  	_ =	shalt  }
0x63: {  	_ =	shalt  }
0x64: {  	_ =	shalt  }
0x65: {  	_ =	shalt  }
0x66: {  	_ =	shalt  }
0x67: {  	_ =	shalt  }
0x68: {  	_ =	shalt  }
0x69: {  	_ =	shalt  }
0x6a: {  	_ =	shalt  }
0x6b: {  	_ =	shalt  }
0x6c: {  	_ =	shalt  }
0x6d: {  	_ =	shalt  }
0x6e: {  	_ =	shalt  }
0x6f: {  	_ =	shalt  }
0x70: {  	_ =	shalt  }
0x71: {  	_ =	shalt  }
0x72: {  	_ =	shalt  }
0x73: {  	_ =	shalt  }
0x74: {  	_ =	shalt  }
0x75: {  	_ =	shalt  }
0x76: {  	_ =	shalt  }
0x77: {  	_ =	shalt  }
0x78: {  	_ =	shalt  }
0x79: {  	_ =	shalt  }
0x7a: {  	_ =	shalt  }
0x7b: {  	_ =	shalt  }
0x7c: {  	_ =	shalt  }
0x7d: {  	_ =	shalt  }
0x7e: {  	_ =	shalt  }
0x7f: {  	_ =	shalt  }
0x80: {  	_ =	shalt  }
0x81: {  	_ =	shalt  }
0x82: {  	_ =	shalt  }
0x83: {  	_ =	shalt  }
0x84: {  	_ =	shalt  }
0x85: {  	_ =	shalt  }
0x86: {  	_ =	shalt  }
0x87: {  	_ =	shalt  }
.Lfunc_end0:
.L_simem_size_0:
called_computation.1_lowered:
.L_overlay_start_0:
0x88: {  	s2 =	sld [smem:$0x3FD9]  }
0x89: {  	s3 =	sld [smem:$0x3FFE];
	_ =	sdelay $0x1  }
0x8a: {  	s1 =	srdreg.scid  }
0x8b: {  	s0 =	sand.u32 $0x1, s1  }
0x8c: {  	s17 =	sshll.u32 s0, $0xA;
	s2 =	sadd.s32 s3, s2  }
0x8d: {  	s2 =	sadd.s32 s2, s17  }
0x8e: {  	[smem:$0x3FB0] =	sst s2  }
0x8f: {  	_ = 	snop  }
0x90: {  	s2 =	sld [smem:$0x3FD0];
	(tm) =	ssettm $0x1  }
0x91: {  	s18 =	sld [smem:$0x3FFB];
	_ =	sdelay $0x3  }
0x92: {  	_ =	strace s18  }
0x93: {  	s3 =	sld [smem:$0x3FFC];
	_ =	sdelay $0x3  }
0x94: {  	_ =	strace s3  }
0x95: {  	s3 =	sld [smem:$0x3FFD];
	_ =	sdelay $0x3  }
0x96: {  	_ =	strace s3  }
0x97: {  	_ =	strace $0x8FFFFFFF  }
0x98: {  	s19 =	sld [smem:$0x3FDB];
	_ =	sdelay $0x1  }
0x99: {  	s4 =	simm.s32 $_scs_section_size  }
0x9a: {  	s5 =	simm.s32 $_size__tile_overlayer_lowered;
	s6 =	simm.s32 $_tile_overlayer_lowered  }
0x9b: {  	s22 =	simm.s32 $0x1BFF;
	s21 =	sshll.u32 s6, $0x1;
	s3 =	sadd.s32 s4, s19  }
0x9c: {  	s7 =	simm.s32 $0x0;
	s20 =	sshll.u32 s5, $0x1;
	s5 =	sadd.s32 s21, s3  }
0x9d: {  	[timem:s7], [sflag:s22] =	dma.local [hbm:s5], s20  }
0x9e: {  	_ =	swait.ge [sflag:s22], s20  }
0x9f: {  	s4 =	ssub.s32 $0x0, s20;
	[sflag:s22] =	ssyncset.done $0x0  }
0xa0: {  	[sflag:s22] =	ssyncadd.s32 s4;
	_ =	sdelay $0x1  }
0xa1: {  	s23 =	simm.s32 $0x1B8B  }
0xa2: {  	_ =	swait.ge [sflag:s23], $0x1  }
0xa3: {  	[sflag:s23] =	ssyncset.done $0x0  }
0xa4: {  	s25 =	simm.s32 $0x1B8E;
	s24 =	sld [smem:$0x3FFE];
	[sflag:s23] =	ssyncadd.s32 $0xFFFFFFFF  }
0xa5: {  	s26 =	simm.s32 $execute0_lowered;
	[smem:$0x3FD2] =	sst s25  }
0xa6: {  	s5 =	sshll.u32 s26, $0x1;
	_ =	strace $0x80000049;
	[dreg:$0x1] =	wrdreg $0xFFFFFFFF  }
0xa7: {  	s28 =	simm.s32 $_size_execute0_lowered;
	s3 =	sadd.s32 s3, s5;
	[dreg:$0x0] =	wrdreg $0x0  }
0xa8: {  	s5 =	sshll.u32 s28, $0x1;
	[dreg:$0x2] =	wrdreg s3  }
0xa9: {  	[dreg:$0x3] =	wrdreg s5  }
0xaa: {  	[dreg:$0x4] =	wrdreg $0xC0  }
0xab: {  	_ =	task [dreg:s7], $0x5FFFF  }
0xac: {  	[dreg:$0x1] =	wrdreg $0xFFFFFFFF  }
0xad: {  	[dreg:$0x0] =	wrdreg $0x60  }
0xae: {  	[dreg:$0x2] =	wrdreg s2  }
0xaf: {  	[dreg:$0x3] =	wrdreg s24  }
0xb0: {  	[dreg:$0x4] =	wrdreg $0x131000  }
0xb1: {  	[dreg:$0x5] =	wrdreg $0x91000  }
0xb2: {  	[dreg:$0x6] =	wrdreg $0x9  }
0xb3: {  	_ =	task.clear_ibuf [dreg:s7], $0x7FFFF;
	_ =	strace $0x90000049  }
0xb4: {  	s29 =	simm.s32 $0x9;
	_ =	strace $0x8000004B  }
0xb5: {  	_ =	swait.ge [sflag:s29], $0x1  }
0xb6: {  	[sflag:s29] =	ssyncadd.s32 $0xFFFFFFFF  }
0xb7: {  	_ =	strace $0x9000004B  }
0xb8: {  	_ =	sfence  }
0xb9: {  	s30 =	sld [smem:$0x0];
	_ =	sdelay $0x2  }
0xba: {  	s31 =	sshll.u32 s1, $0xD;
	s1 =	sshrl.u32 s1, $0x2  }
0xbb: {  	s3 =	sand.u32 $0x4000, s31;
	s1 =	sadd.s32 s1, s30  }
0xbc: {  	s0 =	sor.u32 s3, s0;
	s1 =	sshll.u32 s1, $0x11  }
0xbd: {  	s0 =	sor.u32 s1, s0  }
0xbe: {  	s0 =	sadd.s32 $0x8F2B, s0  }
0xbf: {  	[sflag:s0] =	ssyncadd.remote.s32 $0x1  }
0xc0: {  	_ =	sfence.sel $0xFFFF  }
0xc1: {  	[dreg:$0x0] =	wrdreg $0xFFFFFFFF;
	(pc) =	sbr.abs _section_cstart, $3  }
0xc2: {  	[dreg:$0x1] =	wrdreg $0xFFFFFFFF  }
0xc3: {  	_ =	task.clear_ibuf [dreg:s7], $0x2FFFF;
	_ =	strace $0x9FFFFFFF  }
0xc4: {  	(tm) =	ssettm $0x7FFFFFFF  }
0xc5: {  	_ =	shalt  }
tec
execute0_lowered:
.L_overlay_start_1:
0x0: {  	(tag) =	ssettag $0x1  }
0x1: {  	s1 =	rddreg [dreg:$0x0]  }
0x2: {  	s0 =	srdreg.scid;
	s6 =	rddreg [dreg:$0x1]  }
0x3: {  	s24 =	stileid.u32;
	s2 =	rddreg [dreg:$0x2];
	s16 =	simm.s32 $0x2880  }
0x4: {  	s17 =	simm.s32 $0x1;
	s18 =	simm.s32 $0x2;
	s19 =	simm.s32 $0x3  }
0x5: {  	s20 =	simm.s32 $0x5;
	s21 =	simm.s32 $0x80;
	s22 =	simm.s32 $0x5100  }
0x6: {  	s23 =	simm.s32 $0x7100;
	s28 =	simm.s32 $0x5080;
	s29 =	simm.s32 $0x6  }
0x7: {  	s30 =	simm.s32 $0x0;
	s5 =	sand.u32 $0x1, s0;
	s8 =	smul.u32 $0xA000, s24  }
0x8: {  	s3 =	sshll.u32 s5, $0x4;
	s9 =	smul.u32 $0xA0000, s5;
	s5 =	ssub.s32 $0x2, s5  }
0x9: {  	s4 =	sor.u32 s24, s3;
	s3 =	rddreg [dreg:$0x3];
	s26 =	sshrl.u32 s8, $0x3  }
0xa: {  	s11 =	sshrl.u32 s5, $0x1;
	s15 =	sadd.s32 s8, s2;
	s7 =	smul.u32 $0x510, s4  }
0xb: {  	s4 =	simm.s32 $0x0;
	s25 =	sadd.s32 s8, s9;
	s12 =	sadd.s32 s26, s6  }
0xc: {  	s14 =	ssub.s32 s5, s11;
	s5 =	sadd.s32 s1, s26;
	s31 =	sadd.s32 s8, s3  }
0xd: {  	s26 =	simm.s32 $0x2800;
	[smem:$0x7FF] =	sst s4;
	s8 =	sadd.s32 $0x19000, s12  }
0xe: {  	s12 =	smax.u32 s14, $0x1;
	s10 =	sadd.s32 s7, s6;
	s7 =	sshrl.u32 s25, $0x3  }
0xf: {  	_ =	strace $0x8000004A;
	s25 =	simm.s32 $0x4;
	s13 =	sadd.s32 s7, s6  }
0x10: {  	s6 =	sshll.u32 s24, $0x6;
	s9 =	sadd.s32 $0xEE00, s10;
	s10 =	sadd.s32 $0x4C00, s10  }
0x11: {  	s24 =	simm.s32 $0x2900;
	s7 =	sor.u32 $0x1C05, s6;
	s11 =	sadd.s32 $0x2D000, s13  }
0x12: {  	s13 =	sshrl.u32 s15, $0x3;
	s14 =	sor.u32 $0x1C03, s6;
	s15 =	sshrl.u32 s31, $0x3  }
.LBB2_1:
0x13: {  	[spmem:s13], [sflag:s7] =	dma.local [hbm:s5], $0x1400  }
0x14: {  	[spmem:s15], [sflag:s14] =	dma.local [hbm:s8], $0x1400  }
0x15: {  	[tilespmem:s4], [sflag:$0x1] =	stream.linear.gather [hbm4b:s9+s4], $0x2880, $0x38;
	[tilespmem:$0x1D100] =	vst v63  }
0x16: {  	_ = 	snop  }
0x17: {  	[tilespmem:s16], [sflag:$0x2] =	stream.linear.gather [hbm4b:s10+s4], $0x2880, $0x38;
	[tilespmem:$0x1D100] =	vst v63  }
0x18: {  	_ =	swait.ge [sflag:s17], $0x2880  }
0x19: {  	[sflag:s17] =	ssyncset.done $0x0  }
0x1a: {  	[sflag:s17] =	ssyncadd.s32 $0xFFFFD780  }
0x1b: {  	_ =	swait.ge [sflag:s18], $0x2880  }
0x1c: {  	[sflag:s18] =	ssyncset.done $0x0  }
0x1d: {  	[sflag:s18] =	ssyncadd.s32 $0xFFFFD780  }
0x1e: {  	_ =	swait.ge [sflag:s19], $0x1400  }
0x1f: {  	[sflag:s19] =	ssyncset.done $0x0  }
0x20: {  	[sflag:s19] =	ssyncadd.s32 $0xFFFFEC00  }
0x21: {  	_ =	swait.ge [sflag:s20], $0x1400  }
0x22: {  	[sflag:s20] =	ssyncset.done $0x0  }
0x23: {  	[sflag:s20] =	ssyncadd.s32 $0xFFFFEC00  }
0x24: {  	[bflag:$0x0] =	sbarrier.arrive $0xFFFF  }
0x25: {  	[tilespmem:s22], [sflag:$0x1] =	stream.indirect.gather [spmem:s2], $0x40, s4, s21, $0xb8;
	[tilespmem:$0x1D100] =	vst v63  }
0x26: {  	_ = 	snop  }
0x27: {  	[tilespmem:s23], [sflag:$0x2] =	stream.indirect.gather [spmem:s2], $0x40, s21, s21, $0xb8;
	[tilespmem:$0x1D100] =	vst v63  }
0x28: {  	_ =	swait.ge [sflag:s17], $0x2000  }
0x29: {  	[sflag:s17] =	ssyncset.done $0x0  }
0x2a: {  	[sflag:s17] =	ssyncadd.s32 $0xFFFFE000  }
0x2b: {  	[spmem:s3] =	stream.indirect.scatter.add.f32 [tilespmem:s22], [sflag:$0x3], $0x40, s16, s21, $0xb8;
	[tilespmem:$0x1D100] =	vst v63  }
0x2c: {  	_ =	swait.ge [sflag:s18], $0x2000  }
0x2d: {  	[sflag:s18] =	ssyncset.done $0x0  }
0x2e: {  	[sflag:s18] =	ssyncadd.s32 $0xFFFFE000  }
0x2f: {  	[spmem:s3] =	stream.indirect.scatter.add.f32 [tilespmem:s23], [sflag:$0x4], $0x40, s24, s21, $0xb8;
	[tilespmem:$0x1D100] =	vst v63  }
0x30: {  	_ =	swait.ge [sflag:s19], $0x2000  }
0x31: {  	[sflag:s19] =	ssyncset.done $0x0  }
0x32: {  	s1 =	simm.s32 $0x100;
	[sflag:s19] =	ssyncadd.s32 $0xFFFFE000  }
0x33: {  	[tilespmem:s22], [sflag:$0x1] =	stream.indirect.gather [spmem:s2], $0x40, s1, s21, $0xb8;
	[tilespmem:$0x1D100] =	vst v63  }
0x34: {  	_ =	swait.ge [sflag:s25], $0x2000  }
0x35: {  	[sflag:s25] =	ssyncset.done $0x0  }
0x36: {  	s0 =	simm.s32 $0x180;
	[sflag:s25] =	ssyncadd.s32 $0xFFFFE000  }
0x37: {  	[tilespmem:s23], [sflag:$0x2] =	stream.indirect.gather [spmem:s2], $0x40, s0, s21, $0xb8;
	[tilespmem:$0x1D100] =	vst v63  }
0x38: {  	_ =	swait.ge [sflag:s17], $0x2000  }
0x39: {  	[sflag:s17] =	ssyncset.done $0x0  }
0x3a: {  	s0 =	simm.s32 $0x2980;
	[sflag:s17] =	ssyncadd.s32 $0xFFFFE000  }
0x3b: {  	[spmem:s3] =	stream.indirect.scatter.add.f32 [tilespmem:s22], [sflag:$0x3], $0x40, s0, s21, $0xb8;
	[tilespmem:$0x1D100] =	vst v63  }
0x3c: {  	_ =	swait.ge [sflag:s18], $0x2000  }
0x3d: {  	[sflag:s18] =	ssyncset.done $0x0  }
0x3e: {  	s31 =	simm.s32 $0xFFFF6800;
	s1 =	simm.s32 $0x2A00;
	[sflag:s18] =	ssyncadd.s32 $0xFFFFE000  }
.LBB2_2:
0x3f: {  	[spmem:s3] =	stream.indirect.scatter.add.f32 [tilespmem:s23], [sflag:$0x4], $0x40, s1, s21, $0xb8;
	[tilespmem:$0x1D100] =	vst v63  }
0x40: {  	s1 =	smov.u32 s31  }
0x41: {  	p0 =	sne.s32 s31, $0xFFFFFC00;
	s31 =	sadd.s32 $0x400, s31;
	_ =	swait.ge [sflag:s19], $0x2000  }
0x42: {  	s1 =	sshra.s32 s1, $0x2;
	[sflag:s19] =	ssyncset.done $0x0  }
0x43: {  	s0 =	sadd.s32 $0x2800, s1;
	[sflag:s19] =	ssyncadd.s32 $0xFFFFE000  }
0x44: {  	[tilespmem:s22], [sflag:$0x1] =	stream.indirect.gather [spmem:s2], $0x40, s0, s21, $0xb8;
	[tilespmem:$0x1D100] =	vst v63  }
0x45: {  	_ =	swait.ge [sflag:s25], $0x2000  }
0x46: {  	[sflag:s25] =	ssyncset.done $0x0  }
0x47: {  	s0 =	sadd.s32 $0x2880, s1;
	[sflag:s25] =	ssyncadd.s32 $0xFFFFE000  }
0x48: {  	[tilespmem:s23], [sflag:$0x2] =	stream.indirect.gather [spmem:s2], $0x40, s0, s21, $0xb8;
	[tilespmem:$0x1D100] =	vst v63  }
0x49: {  	_ =	swait.ge [sflag:s17], $0x2000  }
0x4a: {  	[sflag:s17] =	ssyncset.done $0x0  }
.Ltmp0:
0x4b: {  	s0 =	sadd.s32 $0x5080, s1;
	[sflag:s17] =	ssyncadd.s32 $0xFFFFE000;
	(pc) =	sbr.rel @p0 .LBB2_2-.Ltmp0, $4  }
0x4c: {  	[spmem:s3] =	stream.indirect.scatter.add.f32 [tilespmem:s22], [sflag:$0x3], $0x40, s0, s21, $0xb8;
	[tilespmem:$0x1D100] =	vst v63  }
0x4d: {  	_ =	swait.ge [sflag:s18], $0x2000  }
0x4e: {  	[sflag:s18] =	ssyncset.done $0x0  }
0x4f: {  	s1 =	sadd.s32 $0x5100, s1;
	[sflag:s18] =	ssyncadd.s32 $0xFFFFE000  }
0x50: {  	[spmem:s3] =	stream.indirect.scatter.add.f32 [tilespmem:s23], [sflag:$0x4], $0x40, s1, s21, $0xb8;
	[tilespmem:$0x1D100] =	vst v63  }
0x51: {  	_ =	swait.ge [sflag:s19], $0x2000  }
0x52: {  	[sflag:s19] =	ssyncset.done $0x0  }
0x53: {  	[sflag:s19] =	ssyncadd.s32 $0xFFFFE000  }
0x54: {  	[tilespmem:s22], [sflag:$0x1] =	stream.indirect.gather [spmem:s2], $0x40, s26, s21, $0xb8;
	[tilespmem:$0x1D100] =	vst v63  }
0x55: {  	_ =	swait.ge [sflag:s17], $0x2000  }
0x56: {  	[sflag:s17] =	ssyncset.done $0x0  }
0x57: {  	[sflag:s17] =	ssyncadd.s32 $0xFFFFE000  }
0x58: {  	[spmem:s3] =	stream.indirect.scatter.add.f32 [tilespmem:s22], [sflag:$0x3], $0x40, s28, s21, $0xb8;
	[tilespmem:$0x1D100] =	vst v63  }
0x59: {  	_ =	swait.ge [sflag:s19], $0x2000  }
0x5a: {  	[sflag:s19] =	ssyncset.done $0x0  }
0x5b: {  	[sflag:s19] =	ssyncadd.s32 $0xFFFFE000  }
0x5c: {  	_ =	swait.ge [sflag:s25], $0x2000  }
0x5d: {  	s30 =	sadd.s32 $0x1, s30;
	[sflag:s25] =	ssyncset.done $0x0  }
0x5e: {  	p0 =	sne.s32 s30, s12;
	[sflag:s25] =	ssyncadd.s32 $0xFFFFE000  }
.Ltmp1:
0x5f: {  	s0 =	sor.u32 $0x1C06, s6;
	[bflag:$0x0] =	sbarrier.arrive $0xFFFF;
	(pc) =	sbr.rel @p0 .LBB2_1-.Ltmp1, $4  }
0x60: {  	[hbm:s11], [sflag:s0] =	dma.local [spmem:s15], $0x1400  }
0x61: {  	_ =	swait.ge [sflag:s29], $0x1400  }
0x62: {  	[sflag:s29] =	ssyncset.done $0x0  }
0x63: {  	[sflag:s29] =	ssyncadd.s32 $0xFFFFEC00  }
0x64: {  	_ =	sfence.sel $0x180000  }
0x65: {  	[bflag:$0x0] =	sbarrier.arrive $0xFFFF  }
0x66: {  	_ =	strace $0x9000004A  }
0x67: {  	s0 =	stileid.u32;
	[bflag:$0x2] =	sbarrier.arrive $0xFFFF  }
0x68: {  	p0 =	sne.s32 s0, $0x0;
	s0 =	rddreg [dreg:$0x4]  }
0x69: {  	s0 =	sadd.s32 @!p0 $0x100000, s0  }
0x6a: {  	[sflag:s0] =	ssyncadd.tile.s32 @!p0 $0x1;
	_ =	shalt  }
.Lfunc_end2:
_tile_overlayer_lowered:
.L_overlay_start_2:
0x6b: {  	(tag) =	ssettag $0x2  }
0x6c: {  	s0 =	rddreg [dreg:$0x0];
	s2 =	stileid.u32  }
0x6d: {  	s1 =	rddreg [dreg:$0x1];
	p0 =	sne.s32 s2, $0x0  }
0x6e: {  	s3 =	rddreg [dreg:$0x2];
	[bflag:$0x3] =	sbarrier.arrive $0xFFFF;
	s2 =	simm.s32 @!p0 $0x1C06  }
0x6f: {  	[timem:s3], [sflag:s2] =	dma.local @!p0 [hbm:s0], s1  }
0x70: {  	s0 =	simm.s32 @!p0 $0x6  }
0x71: {  	_ =	swait.ge @!p0 [sflag:s0], s1  }
0x72: {  	s1 =	ssub.s32 @!p0 $0x0, s1;
	[sflag:s0] =	ssyncset.done @!p0 $0x0  }
0x73: {  	[sflag:s0] =	ssyncadd.s32 @!p0 s1  }
0x74: {  	[bflag:$0x3] =	sbarrier.arrive $0xFFFF  }
0x75: {  	_ =	shalt  }

// kernel: kernel.15.cloned.1.call-start
scs
__scs_entry_jumppad:
0x0: {  	(pc) =	sbr.rel $0x88, $3  }
0x1: {  	(tag) =	ssettag $0x0;
	lr =	simm.s32 $0x1  }
0x2: {  	[smem:$0x3F89] =	sst lr;
	_ =	strace $0xD0000000  }
0x3: {  	_ = 	snop  }
0x4: {  	_ = 	snop  }
0x5: {  	_ = 	snop  }
0x6: {  	_ = 	snop  }
0x7: {  	_ = 	snop  }
__scs_overlays_trampoline_lowered:
0x8: {  	[smem:$0x3F98] =	sst s0  }
0x9: {  	[smem:$0x3F99] =	sst s1  }
0xa: {  	[smem:$0x3F9A] =	sst s2  }
0xb: {  	[smem:$0x3F9B] =	sst s3  }
0xc: {  	[smem:$0x3F9C] =	sst s4  }
0xd: {  	[smem:$0x3F9D] =	sst s5  }
0xe: {  	[smem:$0x3F9E] =	sst s6  }
0xf: {  	[smem:$0x3F9F] =	sst s7  }
0x10: {  	[smem:$0x3FA0] =	sst s8  }
0x11: {  	[smem:$0x3FA1] =	sst s9;
	s0 =	simm.s32 @!p0 $0x0  }
0x12: {  	s1 =	sld [smem:$0x3F87];
	s0 =	simm.s32 @p0 $0x1  }
0x13: {  	[smem:$0x3FA2] =	sst s0;
	s0 =	simm.s32 @!p1 $0x0  }
0x14: {  	s2 =	sld [smem:$0x3F86];
	s0 =	simm.s32 @p1 $0x1  }
0x15: {  	[smem:$0x3FA3] =	sst s0;
	s0 =	simm.s32 @!p2 $0x0  }
0x16: {  	s3 =	sld [smem:$0x3FDB];
	s0 =	simm.s32 @p2 $0x1  }
0x17: {  	s4 =	simm.s32 $0x1BF5;
	[smem:$0x3FA5] =	sst s0  }
0x18: {  	s0 =	sld [smem:$0x3F88];
	_ =	swait.ge [sflag:s4], $0x0  }
0x19: {  	s7 =	sld [smem:$0x3F89]  }
0x1a: {  	s8 =	sadd.s32 $0xFFFFE003, lr  }
0x1b: {  	s9 =	sadd.s32 $0xFFFFFEF7, lr;
	s5 =	simm.s32 $0xFFFFFFFF;
	p2 =	slt.u32 s8, $0xFFFFF086  }
0x1c: {  	p1 =	slt.u32 s9, $0xF7A;
	s5 =	simm.s32 @!p2 $0x0  }
0x1d: {  	s5 =	simm.s32 @p1 $0x1;
	p0 =	seq.s32 s7, s2  }
0x1e: {  	s7 =	smul.u32 @!p0 $0xF7A, s2;
	p2 =	seq.s32 @!p0 s5, $0x0  }
0x1f: {  	s9 =	smul.u32 $0xF7A, s1;
	s8 =	simm.s32 @!p0 $0x1BF5;
	p2 =	por !p2, p0  }
0x20: {  	[sflag:s8] =	ssyncset.s32 @!p0 $0xFFFFF086;
	s6 =	sadd.s32 @!p0 s3, s7;
	s7 =	simm.s32 @!p0 $0x108  }
0x21: {  	s3 =	sadd.s32 s3, s9;
	s6 =	sadd.s32 @!p0 $0x88, s6;
	s7 =	simm.s32 @p2 $0x1082  }
0x22: {  	[simem:s7], [sflag:s8] =	dma.local @!p0 [hbm:s6], $0xF7A  }
0x23: {  	s9 =	sor.u32 $0xD0000000, s2;
	s6 =	simm.s32 $0x108;
	_ =	swait.ge @!p0 [sflag:s8], $0x0  }
0x24: {  	s3 =	sadd.s32 $0x88, s3;
	s6 =	simm.s32 @!p1 $0x1082;
	[sflag:s4] =	ssyncset.s32 $0xFFFFF086  }
0x25: {  	[simem:s6], [sflag:s4] =	dma.local [hbm:s3], $0xF7A  }
0x26: {  	[smem:$0x3F89] =	sst s1;
	(tag) =	ssettag s2;
	_ =	strace s9  }
0x27: {  	s1 =	sld [smem:$0x3F99]  }
0x28: {  	s2 =	sld [smem:$0x3F9A]  }
0x29: {  	s4 =	sld [smem:$0x3F9C]  }
0x2a: {  	p0 =	seq.s32 s5, $0x0;
	s5 =	sld [smem:$0x3F9D]  }
0x2b: {  	s6 =	sld [smem:$0x3F9E]  }
0x2c: {  	s7 =	sld [smem:$0x3F9F]  }
0x2d: {  	s3 =	simm.s32 $0x108;
	s8 =	sld [smem:$0x3FA0]  }
0x2e: {  	s3 =	simm.s32 @!p0 $0x1082;
	s9 =	sld [smem:$0x3FA1]  }
0x2f: {  	lr =	sadd.s32 s0, s3;
	s0 =	sld [smem:$0x3F98]  }
0x30: {  	s3 =	sld [smem:$0x3F9B]  }
0x31: {  	[smem:$0x3FA4] =	sst s10  }
0x32: {  	s10 =	sld [smem:$0x3FA2];
	_ =	sdelay $0x3  }
0x33: {  	p0 =	seq.s32 s10, $0x1;
	s10 =	sld [smem:$0x3FA4];
	_ =	sdelay $0x3  }
0x34: {  	[smem:$0x3FA4] =	sst s10  }
0x35: {  	s10 =	sld [smem:$0x3FA3];
	_ =	sdelay $0x3  }
0x36: {  	p1 =	seq.s32 s10, $0x1;
	s10 =	sld [smem:$0x3FA4];
	_ =	sdelay $0x3  }
0x37: {  	[smem:$0x3FA4] =	sst s10  }
0x38: {  	s10 =	sld [smem:$0x3FA5]  }
0x39: {  	_ = 	snop;
	(pc) =	sbr.ind lr, $3  }
0x3a: {  	_ = 	snop  }
0x3b: {  	_ = 	snop  }
0x3c: {  	p2 =	seq.s32 s10, $0x1;
	s10 =	sld [smem:$0x3FA4]  }
0x3d: {  	_ =	shalt  }
0x3e: {  	_ =	shalt  }
0x3f: {  	_ =	shalt  }
0x40: {  	_ =	shalt  }
0x41: {  	_ =	shalt  }
0x42: {  	_ =	shalt  }
0x43: {  	_ =	shalt  }
0x44: {  	_ =	shalt  }
0x45: {  	_ =	shalt  }
0x46: {  	_ =	shalt  }
0x47: {  	_ =	shalt  }
0x48: {  	_ =	shalt  }
0x49: {  	_ =	shalt  }
0x4a: {  	_ =	shalt  }
0x4b: {  	_ =	shalt  }
0x4c: {  	_ =	shalt  }
0x4d: {  	_ =	shalt  }
0x4e: {  	_ =	shalt  }
0x4f: {  	_ =	shalt  }
0x50: {  	_ =	shalt  }
0x51: {  	_ =	shalt  }
0x52: {  	_ =	shalt  }
0x53: {  	_ =	shalt  }
0x54: {  	_ =	shalt  }
0x55: {  	_ =	shalt  }
0x56: {  	_ =	shalt  }
0x57: {  	_ =	shalt  }
0x58: {  	_ =	shalt  }
0x59: {  	_ =	shalt  }
0x5a: {  	_ =	shalt  }
0x5b: {  	_ =	shalt  }
0x5c: {  	_ =	shalt  }
0x5d: {  	_ =	shalt  }
0x5e: {  	_ =	shalt  }
0x5f: {  	_ =	shalt  }
0x60: {  	_ =	shalt  }
0x61: {  	_ =	shalt  }
0x62: {  	_ =	shalt  }
0x63: {  	_ =	shalt  }
0x64: {  	_ =	shalt  }
0x65: {  	_ =	shalt  }
0x66: {  	_ =	shalt  }
0x67: {  	_ =	shalt  }
0x68: {  	_ =	shalt  }
0x69: {  	_ =	shalt  }
0x6a: {  	_ =	shalt  }
0x6b: {  	_ =	shalt  }
0x6c: {  	_ =	shalt  }
0x6d: {  	_ =	shalt  }
0x6e: {  	_ =	shalt  }
0x6f: {  	_ =	shalt  }
0x70: {  	_ =	shalt  }
0x71: {  	_ =	shalt  }
0x72: {  	_ =	shalt  }
0x73: {  	_ =	shalt  }
0x74: {  	_ =	shalt  }
0x75: {  	_ =	shalt  }
0x76: {  	_ =	shalt  }
0x77: {  	_ =	shalt  }
0x78: {  	_ =	shalt  }
0x79: {  	_ =	shalt  }
0x7a: {  	_ =	shalt  }
0x7b: {  	_ =	shalt  }
0x7c: {  	_ =	shalt  }
0x7d: {  	_ =	shalt  }
0x7e: {  	_ =	shalt  }
0x7f: {  	_ =	shalt  }
0x80: {  	_ =	shalt  }
0x81: {  	_ =	shalt  }
0x82: {  	_ =	shalt  }
0x83: {  	_ =	shalt  }
0x84: {  	_ =	shalt  }
0x85: {  	_ =	shalt  }
0x86: {  	_ =	shalt  }
0x87: {  	_ =	shalt  }
.Lfunc_end0:
.L_simem_size_0:
called_computation.2_lowered:
.L_overlay_start_0:
0x88: {  	s2 =	sld [smem:$0x3FD9]  }
0x89: {  	s3 =	sld [smem:$0x3FFE];
	_ =	sdelay $0x1  }
0x8a: {  	s1 =	srdreg.scid  }
0x8b: {  	s0 =	sand.u32 $0x1, s1  }
0x8c: {  	s17 =	sshll.u32 s0, $0xA;
	s2 =	sadd.s32 s3, s2  }
0x8d: {  	s2 =	sadd.s32 s2, s17  }
0x8e: {  	[smem:$0x3FB0] =	sst s2  }
0x8f: {  	_ = 	snop  }
0x90: {  	s2 =	sld [smem:$0x3FD0];
	(tm) =	ssettm $0x1  }
0x91: {  	s18 =	sld [smem:$0x3FFB];
	_ =	sdelay $0x3  }
0x92: {  	_ =	strace s18  }
0x93: {  	s3 =	sld [smem:$0x3FFC];
	_ =	sdelay $0x3  }
0x94: {  	_ =	strace s3  }
0x95: {  	s3 =	sld [smem:$0x3FFD];
	_ =	sdelay $0x3  }
0x96: {  	_ =	strace s3  }
0x97: {  	_ =	strace $0x8FFFFFFF  }
0x98: {  	s19 =	sld [smem:$0x3FDB];
	_ =	sdelay $0x1  }
0x99: {  	s4 =	simm.s32 $_scs_section_size  }
0x9a: {  	s5 =	simm.s32 $_size__tile_overlayer_lowered;
	s6 =	simm.s32 $_tile_overlayer_lowered  }
0x9b: {  	s22 =	simm.s32 $0x1BFF;
	s21 =	sshll.u32 s6, $0x1;
	s3 =	sadd.s32 s4, s19  }
0x9c: {  	s7 =	simm.s32 $0x0;
	s20 =	sshll.u32 s5, $0x1;
	s5 =	sadd.s32 s21, s3  }
0x9d: {  	[timem:s7], [sflag:s22] =	dma.local [hbm:s5], s20  }
0x9e: {  	_ =	swait.ge [sflag:s22], s20  }
0x9f: {  	s4 =	ssub.s32 $0x0, s20;
	[sflag:s22] =	ssyncset.done $0x0  }
0xa0: {  	[sflag:s22] =	ssyncadd.s32 s4;
	_ =	sdelay $0x1  }
0xa1: {  	s23 =	simm.s32 $0x1B8B  }
0xa2: {  	_ =	swait.ge [sflag:s23], $0x1  }
0xa3: {  	[sflag:s23] =	ssyncset.done $0x0  }
0xa4: {  	s25 =	simm.s32 $0x1B8E;
	s24 =	sld [smem:$0x3FFE];
	[sflag:s23] =	ssyncadd.s32 $0xFFFFFFFF  }
0xa5: {  	s26 =	simm.s32 $execute0_lowered;
	[smem:$0x3FD2] =	sst s25  }
0xa6: {  	s5 =	sshll.u32 s26, $0x1;
	_ =	strace $0x8000004C;
	[dreg:$0x1] =	wrdreg $0xFFFFFFFF  }
0xa7: {  	s28 =	simm.s32 $_size_execute0_lowered;
	s3 =	sadd.s32 s3, s5;
	[dreg:$0x0] =	wrdreg $0x0  }
0xa8: {  	s5 =	sshll.u32 s28, $0x1;
	[dreg:$0x2] =	wrdreg s3  }
0xa9: {  	[dreg:$0x3] =	wrdreg s5  }
0xaa: {  	[dreg:$0x4] =	wrdreg $0xC0  }
0xab: {  	_ =	task [dreg:s7], $0x5FFFF  }
0xac: {  	[dreg:$0x1] =	wrdreg $0xFFFFFFFF  }
0xad: {  	[dreg:$0x0] =	wrdreg $0x60  }
0xae: {  	[dreg:$0x2] =	wrdreg s2  }
0xaf: {  	[dreg:$0x3] =	wrdreg s24  }
0xb0: {  	[dreg:$0x4] =	wrdreg $0x131000  }
0xb1: {  	[dreg:$0x5] =	wrdreg $0x91000  }
0xb2: {  	[dreg:$0x6] =	wrdreg $0x9  }
0xb3: {  	_ =	task.clear_ibuf [dreg:s7], $0x7FFFF;
	_ =	strace $0x9000004C  }
0xb4: {  	s29 =	simm.s32 $0x9;
	_ =	strace $0x8000004E  }
0xb5: {  	_ =	swait.ge [sflag:s29], $0x1  }
0xb6: {  	[sflag:s29] =	ssyncadd.s32 $0xFFFFFFFF  }
0xb7: {  	_ =	strace $0x9000004E  }
0xb8: {  	_ =	sfence  }
0xb9: {  	s30 =	sld [smem:$0x0];
	_ =	sdelay $0x2  }
0xba: {  	s31 =	sshll.u32 s1, $0xD;
	s1 =	sshrl.u32 s1, $0x2  }
0xbb: {  	s3 =	sand.u32 $0x4000, s31;
	s1 =	sadd.s32 s1, s30  }
0xbc: {  	s0 =	sor.u32 s3, s0;
	s1 =	sshll.u32 s1, $0x11  }
0xbd: {  	s0 =	sor.u32 s1, s0  }
0xbe: {  	s0 =	sadd.s32 $0x8F2B, s0  }
0xbf: {  	[sflag:s0] =	ssyncadd.remote.s32 $0x1  }
0xc0: {  	_ =	sfence.sel $0xFFFF  }
0xc1: {  	[dreg:$0x0] =	wrdreg $0xFFFFFFFF;
	(pc) =	sbr.abs _section_cstart, $3  }
0xc2: {  	[dreg:$0x1] =	wrdreg $0xFFFFFFFF  }
0xc3: {  	_ =	task.clear_ibuf [dreg:s7], $0x2FFFF;
	_ =	strace $0x9FFFFFFF  }
0xc4: {  	(tm) =	ssettm $0x7FFFFFFF  }
0xc5: {  	_ =	shalt  }
tec
execute0_lowered:
.L_overlay_start_1:
0x0: {  	(tag) =	ssettag $0x1  }
0x1: {  	s1 =	rddreg [dreg:$0x0]  }
0x2: {  	s0 =	srdreg.scid;
	s6 =	rddreg [dreg:$0x1]  }
0x3: {  	s24 =	stileid.u32;
	s2 =	rddreg [dreg:$0x2];
	s16 =	simm.s32 $0x2880  }
0x4: {  	s17 =	simm.s32 $0x1;
	s18 =	simm.s32 $0x2;
	s19 =	simm.s32 $0x3  }
0x5: {  	s20 =	simm.s32 $0x5;
	s21 =	simm.s32 $0x80;
	s22 =	simm.s32 $0x5100  }
0x6: {  	s23 =	simm.s32 $0x7100;
	s28 =	simm.s32 $0x5080;
	s29 =	simm.s32 $0x6  }
0x7: {  	s30 =	simm.s32 $0x0;
	s5 =	sand.u32 $0x1, s0;
	s8 =	smul.u32 $0xA000, s24  }
0x8: {  	s3 =	sshll.u32 s5, $0x4;
	s9 =	smul.u32 $0xA0000, s5;
	s5 =	ssub.s32 $0x2, s5  }
0x9: {  	s4 =	sor.u32 s24, s3;
	s3 =	rddreg [dreg:$0x3];
	s26 =	sshrl.u32 s8, $0x3  }
0xa: {  	s11 =	sshrl.u32 s5, $0x1;
	s15 =	sadd.s32 s8, s2;
	s7 =	smul.u32 $0x510, s4  }
0xb: {  	s4 =	simm.s32 $0x0;
	s25 =	sadd.s32 s8, s9;
	s12 =	sadd.s32 s26, s6  }
0xc: {  	s14 =	ssub.s32 s5, s11;
	s5 =	sadd.s32 s1, s26;
	s31 =	sadd.s32 s8, s3  }
0xd: {  	s26 =	simm.s32 $0x2800;
	[smem:$0x7FF] =	sst s4;
	s8 =	sadd.s32 $0x19000, s12  }
0xe: {  	s12 =	smax.u32 s14, $0x1;
	s10 =	sadd.s32 s7, s6;
	s7 =	sshrl.u32 s25, $0x3  }
0xf: {  	_ =	strace $0x8000004D;
	s25 =	simm.s32 $0x4;
	s13 =	sadd.s32 s7, s6  }
0x10: {  	s6 =	sshll.u32 s24, $0x6;
	s9 =	sadd.s32 $0xEE00, s10;
	s10 =	sadd.s32 $0x4C00, s10  }
0x11: {  	s24 =	simm.s32 $0x2900;
	s7 =	sor.u32 $0x1C05, s6;
	s11 =	sadd.s32 $0x2D000, s13  }
0x12: {  	s13 =	sshrl.u32 s15, $0x3;
	s14 =	sor.u32 $0x1C03, s6;
	s15 =	sshrl.u32 s31, $0x3  }
.LBB2_1:
0x13: {  	[spmem:s13], [sflag:s7] =	dma.local [hbm:s5], $0x1400  }
0x14: {  	[spmem:s15], [sflag:s14] =	dma.local [hbm:s8], $0x1400  }
0x15: {  	[tilespmem:s4], [sflag:$0x1] =	stream.linear.gather [hbm4b:s9+s4], $0x2880, $0x38;
	[tilespmem:$0x1D100] =	vst v63  }
0x16: {  	_ = 	snop  }
0x17: {  	[tilespmem:s16], [sflag:$0x2] =	stream.linear.gather [hbm4b:s10+s4], $0x2880, $0x38;
	[tilespmem:$0x1D100] =	vst v63  }
0x18: {  	_ =	swait.ge [sflag:s17], $0x2880  }
0x19: {  	[sflag:s17] =	ssyncset.done $0x0  }
0x1a: {  	[sflag:s17] =	ssyncadd.s32 $0xFFFFD780  }
0x1b: {  	_ =	swait.ge [sflag:s18], $0x2880  }
0x1c: {  	[sflag:s18] =	ssyncset.done $0x0  }
0x1d: {  	[sflag:s18] =	ssyncadd.s32 $0xFFFFD780  }
0x1e: {  	_ =	swait.ge [sflag:s19], $0x1400  }
0x1f: {  	[sflag:s19] =	ssyncset.done $0x0  }
0x20: {  	[sflag:s19] =	ssyncadd.s32 $0xFFFFEC00  }
0x21: {  	_ =	swait.ge [sflag:s20], $0x1400  }
0x22: {  	[sflag:s20] =	ssyncset.done $0x0  }
0x23: {  	[sflag:s20] =	ssyncadd.s32 $0xFFFFEC00  }
0x24: {  	[bflag:$0x0] =	sbarrier.arrive $0xFFFF  }
0x25: {  	[tilespmem:s22], [sflag:$0x1] =	stream.indirect.gather [spmem:s2], $0x40, s4, s21, $0xb8;
	[tilespmem:$0x1D100] =	vst v63  }
0x26: {  	_ = 	snop  }
0x27: {  	[tilespmem:s23], [sflag:$0x2] =	stream.indirect.gather [spmem:s2], $0x40, s21, s21, $0xb8;
	[tilespmem:$0x1D100] =	vst v63  }
0x28: {  	_ =	swait.ge [sflag:s17], $0x2000  }
0x29: {  	[sflag:s17] =	ssyncset.done $0x0  }
0x2a: {  	[sflag:s17] =	ssyncadd.s32 $0xFFFFE000  }
0x2b: {  	[spmem:s3] =	stream.indirect.scatter.add.f32 [tilespmem:s22], [sflag:$0x3], $0x40, s16, s21, $0xb8;
	[tilespmem:$0x1D100] =	vst v63  }
0x2c: {  	_ =	swait.ge [sflag:s18], $0x2000  }
0x2d: {  	[sflag:s18] =	ssyncset.done $0x0  }
0x2e: {  	[sflag:s18] =	ssyncadd.s32 $0xFFFFE000  }
0x2f: {  	[spmem:s3] =	stream.indirect.scatter.add.f32 [tilespmem:s23], [sflag:$0x4], $0x40, s24, s21, $0xb8;
	[tilespmem:$0x1D100] =	vst v63  }
0x30: {  	_ =	swait.ge [sflag:s19], $0x2000  }
0x31: {  	[sflag:s19] =	ssyncset.done $0x0  }
0x32: {  	s1 =	simm.s32 $0x100;
	[sflag:s19] =	ssyncadd.s32 $0xFFFFE000  }
0x33: {  	[tilespmem:s22], [sflag:$0x1] =	stream.indirect.gather [spmem:s2], $0x40, s1, s21, $0xb8;
	[tilespmem:$0x1D100] =	vst v63  }
0x34: {  	_ =	swait.ge [sflag:s25], $0x2000  }
0x35: {  	[sflag:s25] =	ssyncset.done $0x0  }
0x36: {  	s0 =	simm.s32 $0x180;
	[sflag:s25] =	ssyncadd.s32 $0xFFFFE000  }
0x37: {  	[tilespmem:s23], [sflag:$0x2] =	stream.indirect.gather [spmem:s2], $0x40, s0, s21, $0xb8;
	[tilespmem:$0x1D100] =	vst v63  }
0x38: {  	_ =	swait.ge [sflag:s17], $0x2000  }
0x39: {  	[sflag:s17] =	ssyncset.done $0x0  }
0x3a: {  	s0 =	simm.s32 $0x2980;
	[sflag:s17] =	ssyncadd.s32 $0xFFFFE000  }
0x3b: {  	[spmem:s3] =	stream.indirect.scatter.add.f32 [tilespmem:s22], [sflag:$0x3], $0x40, s0, s21, $0xb8;
	[tilespmem:$0x1D100] =	vst v63  }
0x3c: {  	_ =	swait.ge [sflag:s18], $0x2000  }
0x3d: {  	[sflag:s18] =	ssyncset.done $0x0  }
0x3e: {  	s31 =	simm.s32 $0xFFFF6800;
	s1 =	simm.s32 $0x2A00;
	[sflag:s18] =	ssyncadd.s32 $0xFFFFE000  }
.LBB2_2:
0x3f: {  	[spmem:s3] =	stream.indirect.scatter.add.f32 [tilespmem:s23], [sflag:$0x4], $0x40, s1, s21, $0xb8;
	[tilespmem:$0x1D100] =	vst v63  }
0x40: {  	s1 =	smov.u32 s31  }
0x41: {  	p0 =	sne.s32 s31, $0xFFFFFC00;
	s31 =	sadd.s32 $0x400, s31;
	_ =	swait.ge [sflag:s19], $0x2000  }
0x42: {  	s1 =	sshra.s32 s1, $0x2;
	[sflag:s19] =	ssyncset.done $0x0  }
0x43: {  	s0 =	sadd.s32 $0x2800, s1;
	[sflag:s19] =	ssyncadd.s32 $0xFFFFE000  }
0x44: {  	[tilespmem:s22], [sflag:$0x1] =	stream.indirect.gather [spmem:s2], $0x40, s0, s21, $0xb8;
	[tilespmem:$0x1D100] =	vst v63  }
0x45: {  	_ =	swait.ge [sflag:s25], $0x2000  }
0x46: {  	[sflag:s25] =	ssyncset.done $0x0  }
0x47: {  	s0 =	sadd.s32 $0x2880, s1;
	[sflag:s25] =	ssyncadd.s32 $0xFFFFE000  }
0x48: {  	[tilespmem:s23], [sflag:$0x2] =	stream.indirect.gather [spmem:s2], $0x40, s0, s21, $0xb8;
	[tilespmem:$0x1D100] =	vst v63  }
0x49: {  	_ =	swait.ge [sflag:s17], $0x2000  }
0x4a: {  	[sflag:s17] =	ssyncset.done $0x0  }
.Ltmp0:
0x4b: {  	s0 =	sadd.s32 $0x5080, s1;
	[sflag:s17] =	ssyncadd.s32 $0xFFFFE000;
	(pc) =	sbr.rel @p0 .LBB2_2-.Ltmp0, $4  }
0x4c: {  	[spmem:s3] =	stream.indirect.scatter.add.f32 [tilespmem:s22], [sflag:$0x3], $0x40, s0, s21, $0xb8;
	[tilespmem:$0x1D100] =	vst v63  }
0x4d: {  	_ =	swait.ge [sflag:s18], $0x2000  }
0x4e: {  	[sflag:s18] =	ssyncset.done $0x0  }
0x4f: {  	s1 =	sadd.s32 $0x5100, s1;
	[sflag:s18] =	ssyncadd.s32 $0xFFFFE000  }
0x50: {  	[spmem:s3] =	stream.indirect.scatter.add.f32 [tilespmem:s23], [sflag:$0x4], $0x40, s1, s21, $0xb8;
	[tilespmem:$0x1D100] =	vst v63  }
0x51: {  	_ =	swait.ge [sflag:s19], $0x2000  }
0x52: {  	[sflag:s19] =	ssyncset.done $0x0  }
0x53: {  	[sflag:s19] =	ssyncadd.s32 $0xFFFFE000  }
0x54: {  	[tilespmem:s22], [sflag:$0x1] =	stream.indirect.gather [spmem:s2], $0x40, s26, s21, $0xb8;
	[tilespmem:$0x1D100] =	vst v63  }
0x55: {  	_ =	swait.ge [sflag:s17], $0x2000  }
0x56: {  	[sflag:s17] =	ssyncset.done $0x0  }
0x57: {  	[sflag:s17] =	ssyncadd.s32 $0xFFFFE000  }
0x58: {  	[spmem:s3] =	stream.indirect.scatter.add.f32 [tilespmem:s22], [sflag:$0x3], $0x40, s28, s21, $0xb8;
	[tilespmem:$0x1D100] =	vst v63  }
0x59: {  	_ =	swait.ge [sflag:s19], $0x2000  }
0x5a: {  	[sflag:s19] =	ssyncset.done $0x0  }
0x5b: {  	[sflag:s19] =	ssyncadd.s32 $0xFFFFE000  }
0x5c: {  	_ =	swait.ge [sflag:s25], $0x2000  }
0x5d: {  	s30 =	sadd.s32 $0x1, s30;
	[sflag:s25] =	ssyncset.done $0x0  }
0x5e: {  	p0 =	sne.s32 s30, s12;
	[sflag:s25] =	ssyncadd.s32 $0xFFFFE000  }
.Ltmp1:
0x5f: {  	s0 =	sor.u32 $0x1C06, s6;
	[bflag:$0x0] =	sbarrier.arrive $0xFFFF;
	(pc) =	sbr.rel @p0 .LBB2_1-.Ltmp1, $4  }
0x60: {  	[hbm:s11], [sflag:s0] =	dma.local [spmem:s15], $0x1400  }
0x61: {  	_ =	swait.ge [sflag:s29], $0x1400  }
0x62: {  	[sflag:s29] =	ssyncset.done $0x0  }
0x63: {  	[sflag:s29] =	ssyncadd.s32 $0xFFFFEC00  }
0x64: {  	_ =	sfence.sel $0x180000  }
0x65: {  	[bflag:$0x0] =	sbarrier.arrive $0xFFFF  }
0x66: {  	_ =	strace $0x9000004D  }
0x67: {  	s0 =	stileid.u32;
	[bflag:$0x2] =	sbarrier.arrive $0xFFFF  }
0x68: {  	p0 =	sne.s32 s0, $0x0;
	s0 =	rddreg [dreg:$0x4]  }
0x69: {  	s0 =	sadd.s32 @!p0 $0x100000, s0  }
0x6a: {  	[sflag:s0] =	ssyncadd.tile.s32 @!p0 $0x1;
	_ =	shalt  }
.Lfunc_end2:
_tile_overlayer_lowered:
.L_overlay_start_2:
0x6b: {  	(tag) =	ssettag $0x2  }
0x6c: {  	s0 =	rddreg [dreg:$0x0];
	s2 =	stileid.u32  }
0x6d: {  	s1 =	rddreg [dreg:$0x1];
	p0 =	sne.s32 s2, $0x0  }
0x6e: {  	s3 =	rddreg [dreg:$0x2];
	[bflag:$0x3] =	sbarrier.arrive $0xFFFF;
	s2 =	simm.s32 @!p0 $0x1C06  }
0x6f: {  	[timem:s3], [sflag:s2] =	dma.local @!p0 [hbm:s0], s1  }
0x70: {  	s0 =	simm.s32 @!p0 $0x6  }
0x71: {  	_ =	swait.ge @!p0 [sflag:s0], s1  }
0x72: {  	s1 =	ssub.s32 @!p0 $0x0, s1;
	[sflag:s0] =	ssyncset.done @!p0 $0x0  }
0x73: {  	[sflag:s0] =	ssyncadd.s32 @!p0 s1  }
0x74: {  	[bflag:$0x3] =	sbarrier.arrive $0xFFFF  }
0x75: {  	_ =	shalt  }

// kernel: kernel.9.cloned.1.call-start
scs
__scs_entry_jumppad:
0x0: {  	(pc) =	sbr.rel $0x88, $3  }
0x1: {  	(tag) =	ssettag $0x0;
	lr =	simm.s32 $0x1  }
0x2: {  	[smem:$0x3F89] =	sst lr;
	_ =	strace $0xD0000000  }
0x3: {  	_ = 	snop  }
0x4: {  	_ = 	snop  }
0x5: {  	_ = 	snop  }
0x6: {  	_ = 	snop  }
0x7: {  	_ = 	snop  }
__scs_overlays_trampoline_lowered:
0x8: {  	[smem:$0x3F98] =	sst s0  }
0x9: {  	[smem:$0x3F99] =	sst s1  }
0xa: {  	[smem:$0x3F9A] =	sst s2  }
0xb: {  	[smem:$0x3F9B] =	sst s3  }
0xc: {  	[smem:$0x3F9C] =	sst s4  }
0xd: {  	[smem:$0x3F9D] =	sst s5  }
0xe: {  	[smem:$0x3F9E] =	sst s6  }
0xf: {  	[smem:$0x3F9F] =	sst s7  }
0x10: {  	[smem:$0x3FA0] =	sst s8  }
0x11: {  	[smem:$0x3FA1] =	sst s9;
	s0 =	simm.s32 @!p0 $0x0  }
0x12: {  	s1 =	sld [smem:$0x3F87];
	s0 =	simm.s32 @p0 $0x1  }
0x13: {  	[smem:$0x3FA2] =	sst s0;
	s0 =	simm.s32 @!p1 $0x0  }
0x14: {  	s2 =	sld [smem:$0x3F86];
	s0 =	simm.s32 @p1 $0x1  }
0x15: {  	[smem:$0x3FA3] =	sst s0;
	s0 =	simm.s32 @!p2 $0x0  }
0x16: {  	s3 =	sld [smem:$0x3FDB];
	s0 =	simm.s32 @p2 $0x1  }
0x17: {  	s4 =	simm.s32 $0x1BF5;
	[smem:$0x3FA5] =	sst s0  }
0x18: {  	s0 =	sld [smem:$0x3F88];
	_ =	swait.ge [sflag:s4], $0x0  }
0x19: {  	s7 =	sld [smem:$0x3F89]  }
0x1a: {  	s8 =	sadd.s32 $0xFFFFE003, lr  }
0x1b: {  	s9 =	sadd.s32 $0xFFFFFEF7, lr;
	s5 =	simm.s32 $0xFFFFFFFF;
	p2 =	slt.u32 s8, $0xFFFFF086  }
0x1c: {  	p1 =	slt.u32 s9, $0xF7A;
	s5 =	simm.s32 @!p2 $0x0  }
0x1d: {  	s5 =	simm.s32 @p1 $0x1;
	p0 =	seq.s32 s7, s2  }
0x1e: {  	s7 =	smul.u32 @!p0 $0xF7A, s2;
	p2 =	seq.s32 @!p0 s5, $0x0  }
0x1f: {  	s9 =	smul.u32 $0xF7A, s1;
	s8 =	simm.s32 @!p0 $0x1BF5;
	p2 =	por !p2, p0  }
0x20: {  	[sflag:s8] =	ssyncset.s32 @!p0 $0xFFFFF086;
	s6 =	sadd.s32 @!p0 s3, s7;
	s7 =	simm.s32 @!p0 $0x108  }
0x21: {  	s3 =	sadd.s32 s3, s9;
	s6 =	sadd.s32 @!p0 $0x88, s6;
	s7 =	simm.s32 @p2 $0x1082  }
0x22: {  	[simem:s7], [sflag:s8] =	dma.local @!p0 [hbm:s6], $0xF7A  }
0x23: {  	s9 =	sor.u32 $0xD0000000, s2;
	s6 =	simm.s32 $0x108;
	_ =	swait.ge @!p0 [sflag:s8], $0x0  }
0x24: {  	s3 =	sadd.s32 $0x88, s3;
	s6 =	simm.s32 @!p1 $0x1082;
	[sflag:s4] =	ssyncset.s32 $0xFFFFF086  }
0x25: {  	[simem:s6], [sflag:s4] =	dma.local [hbm:s3], $0xF7A  }
0x26: {  	[smem:$0x3F89] =	sst s1;
	(tag) =	ssettag s2;
	_ =	strace s9  }
0x27: {  	s1 =	sld [smem:$0x3F99]  }
0x28: {  	s2 =	sld [smem:$0x3F9A]  }
0x29: {  	s4 =	sld [smem:$0x3F9C]  }
0x2a: {  	p0 =	seq.s32 s5, $0x0;
	s5 =	sld [smem:$0x3F9D]  }
0x2b: {  	s6 =	sld [smem:$0x3F9E]  }
0x2c: {  	s7 =	sld [smem:$0x3F9F]  }
0x2d: {  	s3 =	simm.s32 $0x108;
	s8 =	sld [smem:$0x3FA0]  }
0x2e: {  	s3 =	simm.s32 @!p0 $0x1082;
	s9 =	sld [smem:$0x3FA1]  }
0x2f: {  	lr =	sadd.s32 s0, s3;
	s0 =	sld [smem:$0x3F98]  }
0x30: {  	s3 =	sld [smem:$0x3F9B]  }
0x31: {  	[smem:$0x3FA4] =	sst s10  }
0x32: {  	s10 =	sld [smem:$0x3FA2];
	_ =	sdelay $0x3  }
0x33: {  	p0 =	seq.s32 s10, $0x1;
	s10 =	sld [smem:$0x3FA4];
	_ =	sdelay $0x3  }
0x34: {  	[smem:$0x3FA4] =	sst s10  }
0x35: {  	s10 =	sld [smem:$0x3FA3];
	_ =	sdelay $0x3  }
0x36: {  	p1 =	seq.s32 s10, $0x1;
	s10 =	sld [smem:$0x3FA4];
	_ =	sdelay $0x3  }
0x37: {  	[smem:$0x3FA4] =	sst s10  }
0x38: {  	s10 =	sld [smem:$0x3FA5]  }
0x39: {  	_ = 	snop;
	(pc) =	sbr.ind lr, $3  }
0x3a: {  	_ = 	snop  }
0x3b: {  	_ = 	snop  }
0x3c: {  	p2 =	seq.s32 s10, $0x1;
	s10 =	sld [smem:$0x3FA4]  }
0x3d: {  	_ =	shalt  }
0x3e: {  	_ =	shalt  }
0x3f: {  	_ =	shalt  }
0x40: {  	_ =	shalt  }
0x41: {  	_ =	shalt  }
0x42: {  	_ =	shalt  }
0x43: {  	_ =	shalt  }
0x44: {  	_ =	shalt  }
0x45: {  	_ =	shalt  }
0x46: {  	_ =	shalt  }
0x47: {  	_ =	shalt  }
0x48: {  	_ =	shalt  }
0x49: {  	_ =	shalt  }
0x4a: {  	_ =	shalt  }
0x4b: {  	_ =	shalt  }
0x4c: {  	_ =	shalt  }
0x4d: {  	_ =	shalt  }
0x4e: {  	_ =	shalt  }
0x4f: {  	_ =	shalt  }
0x50: {  	_ =	shalt  }
0x51: {  	_ =	shalt  }
0x52: {  	_ =	shalt  }
0x53: {  	_ =	shalt  }
0x54: {  	_ =	shalt  }
0x55: {  	_ =	shalt  }
0x56: {  	_ =	shalt  }
0x57: {  	_ =	shalt  }
0x58: {  	_ =	shalt  }
0x59: {  	_ =	shalt  }
0x5a: {  	_ =	shalt  }
0x5b: {  	_ =	shalt  }
0x5c: {  	_ =	shalt  }
0x5d: {  	_ =	shalt  }
0x5e: {  	_ =	shalt  }
0x5f: {  	_ =	shalt  }
0x60: {  	_ =	shalt  }
0x61: {  	_ =	shalt  }
0x62: {  	_ =	shalt  }
0x63: {  	_ =	shalt  }
0x64: {  	_ =	shalt  }
0x65: {  	_ =	shalt  }
0x66: {  	_ =	shalt  }
0x67: {  	_ =	shalt  }
0x68: {  	_ =	shalt  }
0x69: {  	_ =	shalt  }
0x6a: {  	_ =	shalt  }
0x6b: {  	_ =	shalt  }
0x6c: {  	_ =	shalt  }
0x6d: {  	_ =	shalt  }
0x6e: {  	_ =	shalt  }
0x6f: {  	_ =	shalt  }
0x70: {  	_ =	shalt  }
0x71: {  	_ =	shalt  }
0x72: {  	_ =	shalt  }
0x73: {  	_ =	shalt  }
0x74: {  	_ =	shalt  }
0x75: {  	_ =	shalt  }
0x76: {  	_ =	shalt  }
0x77: {  	_ =	shalt  }
0x78: {  	_ =	shalt  }
0x79: {  	_ =	shalt  }
0x7a: {  	_ =	shalt  }
0x7b: {  	_ =	shalt  }
0x7c: {  	_ =	shalt  }
0x7d: {  	_ =	shalt  }
0x7e: {  	_ =	shalt  }
0x7f: {  	_ =	shalt  }
0x80: {  	_ =	shalt  }
0x81: {  	_ =	shalt  }
0x82: {  	_ =	shalt  }
0x83: {  	_ =	shalt  }
0x84: {  	_ =	shalt  }
0x85: {  	_ =	shalt  }
0x86: {  	_ =	shalt  }
0x87: {  	_ =	shalt  }
.Lfunc_end0:
.L_simem_size_0:
called_computation_lowered:
.L_overlay_start_0:
0x88: {  	s2 =	sld [smem:$0x3FD9]  }
0x89: {  	s3 =	sld [smem:$0x3FFE];
	_ =	sdelay $0x1  }
0x8a: {  	s1 =	srdreg.scid  }
0x8b: {  	s0 =	sand.u32 $0x1, s1  }
0x8c: {  	s17 =	sshll.u32 s0, $0xA;
	s2 =	sadd.s32 s3, s2  }
0x8d: {  	s2 =	sadd.s32 s2, s17  }
0x8e: {  	[smem:$0x3FB0] =	sst s2  }
0x8f: {  	_ = 	snop  }
0x90: {  	s2 =	sld [smem:$0x3FD0];
	(tm) =	ssettm $0x1  }
0x91: {  	s18 =	sld [smem:$0x3FFB];
	_ =	sdelay $0x3  }
0x92: {  	_ =	strace s18  }
0x93: {  	s3 =	sld [smem:$0x3FFC];
	_ =	sdelay $0x3  }
0x94: {  	_ =	strace s3  }
0x95: {  	s3 =	sld [smem:$0x3FFD];
	_ =	sdelay $0x3  }
0x96: {  	_ =	strace s3  }
0x97: {  	_ =	strace $0x8FFFFFFF  }
0x98: {  	s19 =	sld [smem:$0x3FDB];
	_ =	sdelay $0x1  }
0x99: {  	s4 =	simm.s32 $_scs_section_size  }
0x9a: {  	s5 =	simm.s32 $_size__tile_overlayer_lowered;
	s6 =	simm.s32 $_tile_overlayer_lowered  }
0x9b: {  	s22 =	simm.s32 $0x1BFF;
	s21 =	sshll.u32 s6, $0x1;
	s3 =	sadd.s32 s4, s19  }
0x9c: {  	s7 =	simm.s32 $0x0;
	s20 =	sshll.u32 s5, $0x1;
	s5 =	sadd.s32 s21, s3  }
0x9d: {  	[timem:s7], [sflag:s22] =	dma.local [hbm:s5], s20  }
0x9e: {  	_ =	swait.ge [sflag:s22], s20  }
0x9f: {  	s4 =	ssub.s32 $0x0, s20;
	[sflag:s22] =	ssyncset.done $0x0  }
0xa0: {  	[sflag:s22] =	ssyncadd.s32 s4;
	_ =	sdelay $0x1  }
0xa1: {  	s23 =	simm.s32 $0x1B8B  }
0xa2: {  	_ =	swait.ge [sflag:s23], $0x1  }
0xa3: {  	[sflag:s23] =	ssyncset.done $0x0  }
0xa4: {  	s25 =	simm.s32 $0x1B8E;
	s24 =	sld [smem:$0x3FFE];
	[sflag:s23] =	ssyncadd.s32 $0xFFFFFFFF  }
0xa5: {  	s26 =	simm.s32 $execute0_lowered;
	[smem:$0x3FD2] =	sst s25  }
0xa6: {  	s5 =	sshll.u32 s26, $0x1;
	_ =	strace $0x80000046;
	[dreg:$0x1] =	wrdreg $0xFFFFFFFF  }
0xa7: {  	s28 =	simm.s32 $_size_execute0_lowered;
	s3 =	sadd.s32 s3, s5;
	[dreg:$0x0] =	wrdreg $0x0  }
0xa8: {  	s5 =	sshll.u32 s28, $0x1;
	[dreg:$0x2] =	wrdreg s3  }
0xa9: {  	[dreg:$0x3] =	wrdreg s5  }
0xaa: {  	[dreg:$0x4] =	wrdreg $0xC0  }
0xab: {  	_ =	task [dreg:s7], $0x5FFFF  }
0xac: {  	[dreg:$0x1] =	wrdreg $0xFFFFFFFF  }
0xad: {  	[dreg:$0x0] =	wrdreg $0x60  }
0xae: {  	[dreg:$0x2] =	wrdreg s2  }
0xaf: {  	[dreg:$0x3] =	wrdreg s24  }
0xb0: {  	[dreg:$0x4] =	wrdreg $0x131000  }
0xb1: {  	[dreg:$0x5] =	wrdreg $0x91000  }
0xb2: {  	[dreg:$0x6] =	wrdreg $0x9  }
0xb3: {  	_ =	task.clear_ibuf [dreg:s7], $0x7FFFF;
	_ =	strace $0x90000046  }
0xb4: {  	s29 =	simm.s32 $0x9;
	_ =	strace $0x80000048  }
0xb5: {  	_ =	swait.ge [sflag:s29], $0x1  }
0xb6: {  	[sflag:s29] =	ssyncadd.s32 $0xFFFFFFFF  }
0xb7: {  	_ =	strace $0x90000048  }
0xb8: {  	_ =	sfence  }
0xb9: {  	s30 =	sld [smem:$0x0];
	_ =	sdelay $0x2  }
0xba: {  	s31 =	sshll.u32 s1, $0xD;
	s1 =	sshrl.u32 s1, $0x2  }
0xbb: {  	s3 =	sand.u32 $0x4000, s31;
	s1 =	sadd.s32 s1, s30  }
0xbc: {  	s0 =	sor.u32 s3, s0;
	s1 =	sshll.u32 s1, $0x11  }
0xbd: {  	s0 =	sor.u32 s1, s0  }
0xbe: {  	s0 =	sadd.s32 $0x8F2B, s0  }
0xbf: {  	[sflag:s0] =	ssyncadd.remote.s32 $0x1  }
0xc0: {  	_ =	sfence.sel $0xFFFF  }
0xc1: {  	[dreg:$0x0] =	wrdreg $0xFFFFFFFF;
	(pc) =	sbr.abs _section_cstart, $3  }
0xc2: {  	[dreg:$0x1] =	wrdreg $0xFFFFFFFF  }
0xc3: {  	_ =	task.clear_ibuf [dreg:s7], $0x2FFFF;
	_ =	strace $0x9FFFFFFF  }
0xc4: {  	(tm) =	ssettm $0x7FFFFFFF  }
0xc5: {  	_ =	shalt  }
tec
execute0_lowered:
.L_overlay_start_1:
0x0: {  	(tag) =	ssettag $0x1  }
0x1: {  	s1 =	rddreg [dreg:$0x0]  }
0x2: {  	s0 =	srdreg.scid;
	s6 =	rddreg [dreg:$0x1]  }
0x3: {  	s24 =	stileid.u32;
	s2 =	rddreg [dreg:$0x2];
	s16 =	simm.s32 $0x2880  }
0x4: {  	s17 =	simm.s32 $0x1;
	s18 =	simm.s32 $0x2;
	s19 =	simm.s32 $0x3  }
0x5: {  	s20 =	simm.s32 $0x5;
	s21 =	simm.s32 $0x80;
	s22 =	simm.s32 $0x5100  }
0x6: {  	s23 =	simm.s32 $0x7100;
	s28 =	simm.s32 $0x5080;
	s29 =	simm.s32 $0x6  }
0x7: {  	s30 =	simm.s32 $0x0;
	s5 =	sand.u32 $0x1, s0;
	s8 =	smul.u32 $0xA000, s24  }
0x8: {  	s3 =	sshll.u32 s5, $0x4;
	s9 =	smul.u32 $0xA0000, s5;
	s5 =	ssub.s32 $0x2, s5  }
0x9: {  	s4 =	sor.u32 s24, s3;
	s3 =	rddreg [dreg:$0x3];
	s26 =	sshrl.u32 s8, $0x3  }
0xa: {  	s11 =	sshrl.u32 s5, $0x1;
	s15 =	sadd.s32 s8, s2;
	s7 =	smul.u32 $0x510, s4  }
0xb: {  	s4 =	simm.s32 $0x0;
	s25 =	sadd.s32 s8, s9;
	s12 =	sadd.s32 s26, s6  }
0xc: {  	s14 =	ssub.s32 s5, s11;
	s5 =	sadd.s32 s1, s26;
	s31 =	sadd.s32 s8, s3  }
0xd: {  	s26 =	simm.s32 $0x2800;
	[smem:$0x7FF] =	sst s4;
	s8 =	sadd.s32 $0x19000, s12  }
0xe: {  	s12 =	smax.u32 s14, $0x1;
	s10 =	sadd.s32 s7, s6;
	s7 =	sshrl.u32 s25, $0x3  }
0xf: {  	_ =	strace $0x80000047;
	s25 =	simm.s32 $0x4;
	s13 =	sadd.s32 s7, s6  }
0x10: {  	s6 =	sshll.u32 s24, $0x6;
	s9 =	sadd.s32 $0xEE00, s10;
	s10 =	sadd.s32 $0x4C00, s10  }
0x11: {  	s24 =	simm.s32 $0x2900;
	s7 =	sor.u32 $0x1C05, s6;
	s11 =	sadd.s32 $0x2D000, s13  }
0x12: {  	s13 =	sshrl.u32 s15, $0x3;
	s14 =	sor.u32 $0x1C03, s6;
	s15 =	sshrl.u32 s31, $0x3  }
.LBB2_1:
0x13: {  	[spmem:s13], [sflag:s7] =	dma.local [hbm:s5], $0x1400  }
0x14: {  	[spmem:s15], [sflag:s14] =	dma.local [hbm:s8], $0x1400  }
0x15: {  	[tilespmem:s4], [sflag:$0x1] =	stream.linear.gather [hbm4b:s9+s4], $0x2880, $0x38;
	[tilespmem:$0x1D100] =	vst v63  }
0x16: {  	_ = 	snop  }
0x17: {  	[tilespmem:s16], [sflag:$0x2] =	stream.linear.gather [hbm4b:s10+s4], $0x2880, $0x38;
	[tilespmem:$0x1D100] =	vst v63  }
0x18: {  	_ =	swait.ge [sflag:s17], $0x2880  }
0x19: {  	[sflag:s17] =	ssyncset.done $0x0  }
0x1a: {  	[sflag:s17] =	ssyncadd.s32 $0xFFFFD780  }
0x1b: {  	_ =	swait.ge [sflag:s18], $0x2880  }
0x1c: {  	[sflag:s18] =	ssyncset.done $0x0  }
0x1d: {  	[sflag:s18] =	ssyncadd.s32 $0xFFFFD780  }
0x1e: {  	_ =	swait.ge [sflag:s19], $0x1400  }
0x1f: {  	[sflag:s19] =	ssyncset.done $0x0  }
0x20: {  	[sflag:s19] =	ssyncadd.s32 $0xFFFFEC00  }
0x21: {  	_ =	swait.ge [sflag:s20], $0x1400  }
0x22: {  	[sflag:s20] =	ssyncset.done $0x0  }
0x23: {  	[sflag:s20] =	ssyncadd.s32 $0xFFFFEC00  }
0x24: {  	[bflag:$0x0] =	sbarrier.arrive $0xFFFF  }
0x25: {  	[tilespmem:s22], [sflag:$0x1] =	stream.indirect.gather [spmem:s2], $0x40, s4, s21, $0xb8;
	[tilespmem:$0x1D100] =	vst v63  }
0x26: {  	_ = 	snop  }
0x27: {  	[tilespmem:s23], [sflag:$0x2] =	stream.indirect.gather [spmem:s2], $0x40, s21, s21, $0xb8;
	[tilespmem:$0x1D100] =	vst v63  }
0x28: {  	_ =	swait.ge [sflag:s17], $0x2000  }
0x29: {  	[sflag:s17] =	ssyncset.done $0x0  }
0x2a: {  	[sflag:s17] =	ssyncadd.s32 $0xFFFFE000  }
0x2b: {  	[spmem:s3] =	stream.indirect.scatter.add.f32 [tilespmem:s22], [sflag:$0x3], $0x40, s16, s21, $0xb8;
	[tilespmem:$0x1D100] =	vst v63  }
0x2c: {  	_ =	swait.ge [sflag:s18], $0x2000  }
0x2d: {  	[sflag:s18] =	ssyncset.done $0x0  }
0x2e: {  	[sflag:s18] =	ssyncadd.s32 $0xFFFFE000  }
0x2f: {  	[spmem:s3] =	stream.indirect.scatter.add.f32 [tilespmem:s23], [sflag:$0x4], $0x40, s24, s21, $0xb8;
	[tilespmem:$0x1D100] =	vst v63  }
0x30: {  	_ =	swait.ge [sflag:s19], $0x2000  }
0x31: {  	[sflag:s19] =	ssyncset.done $0x0  }
0x32: {  	s1 =	simm.s32 $0x100;
	[sflag:s19] =	ssyncadd.s32 $0xFFFFE000  }
0x33: {  	[tilespmem:s22], [sflag:$0x1] =	stream.indirect.gather [spmem:s2], $0x40, s1, s21, $0xb8;
	[tilespmem:$0x1D100] =	vst v63  }
0x34: {  	_ =	swait.ge [sflag:s25], $0x2000  }
0x35: {  	[sflag:s25] =	ssyncset.done $0x0  }
0x36: {  	s0 =	simm.s32 $0x180;
	[sflag:s25] =	ssyncadd.s32 $0xFFFFE000  }
0x37: {  	[tilespmem:s23], [sflag:$0x2] =	stream.indirect.gather [spmem:s2], $0x40, s0, s21, $0xb8;
	[tilespmem:$0x1D100] =	vst v63  }
0x38: {  	_ =	swait.ge [sflag:s17], $0x2000  }
0x39: {  	[sflag:s17] =	ssyncset.done $0x0  }
0x3a: {  	s0 =	simm.s32 $0x2980;
	[sflag:s17] =	ssyncadd.s32 $0xFFFFE000  }
0x3b: {  	[spmem:s3] =	stream.indirect.scatter.add.f32 [tilespmem:s22], [sflag:$0x3], $0x40, s0, s21, $0xb8;
	[tilespmem:$0x1D100] =	vst v63  }
0x3c: {  	_ =	swait.ge [sflag:s18], $0x2000  }
0x3d: {  	[sflag:s18] =	ssyncset.done $0x0  }
0x3e: {  	s31 =	simm.s32 $0xFFFF6800;
	s1 =	simm.s32 $0x2A00;
	[sflag:s18] =	ssyncadd.s32 $0xFFFFE000  }
.LBB2_2:
0x3f: {  	[spmem:s3] =	stream.indirect.scatter.add.f32 [tilespmem:s23], [sflag:$0x4], $0x40, s1, s21, $0xb8;
	[tilespmem:$0x1D100] =	vst v63  }
0x40: {  	s1 =	smov.u32 s31  }
0x41: {  	p0 =	sne.s32 s31, $0xFFFFFC00;
	s31 =	sadd.s32 $0x400, s31;
	_ =	swait.ge [sflag:s19], $0x2000  }
0x42: {  	s1 =	sshra.s32 s1, $0x2;
	[sflag:s19] =	ssyncset.done $0x0  }
0x43: {  	s0 =	sadd.s32 $0x2800, s1;
	[sflag:s19] =	ssyncadd.s32 $0xFFFFE000  }
0x44: {  	[tilespmem:s22], [sflag:$0x1] =	stream.indirect.gather [spmem:s2], $0x40, s0, s21, $0xb8;
	[tilespmem:$0x1D100] =	vst v63  }
0x45: {  	_ =	swait.ge [sflag:s25], $0x2000  }
0x46: {  	[sflag:s25] =	ssyncset.done $0x0  }
0x47: {  	s0 =	sadd.s32 $0x2880, s1;
	[sflag:s25] =	ssyncadd.s32 $0xFFFFE000  }
0x48: {  	[tilespmem:s23], [sflag:$0x2] =	stream.indirect.gather [spmem:s2], $0x40, s0, s21, $0xb8;
	[tilespmem:$0x1D100] =	vst v63  }
0x49: {  	_ =	swait.ge [sflag:s17], $0x2000  }
0x4a: {  	[sflag:s17] =	ssyncset.done $0x0  }
.Ltmp0:
0x4b: {  	s0 =	sadd.s32 $0x5080, s1;
	[sflag:s17] =	ssyncadd.s32 $0xFFFFE000;
	(pc) =	sbr.rel @p0 .LBB2_2-.Ltmp0, $4  }
0x4c: {  	[spmem:s3] =	stream.indirect.scatter.add.f32 [tilespmem:s22], [sflag:$0x3], $0x40, s0, s21, $0xb8;
	[tilespmem:$0x1D100] =	vst v63  }
0x4d: {  	_ =	swait.ge [sflag:s18], $0x2000  }
0x4e: {  	[sflag:s18] =	ssyncset.done $0x0  }
0x4f: {  	s1 =	sadd.s32 $0x5100, s1;
	[sflag:s18] =	ssyncadd.s32 $0xFFFFE000  }
0x50: {  	[spmem:s3] =	stream.indirect.scatter.add.f32 [tilespmem:s23], [sflag:$0x4], $0x40, s1, s21, $0xb8;
	[tilespmem:$0x1D100] =	vst v63  }
0x51: {  	_ =	swait.ge [sflag:s19], $0x2000  }
0x52: {  	[sflag:s19] =	ssyncset.done $0x0  }
0x53: {  	[sflag:s19] =	ssyncadd.s32 $0xFFFFE000  }
0x54: {  	[tilespmem:s22], [sflag:$0x1] =	stream.indirect.gather [spmem:s2], $0x40, s26, s21, $0xb8;
	[tilespmem:$0x1D100] =	vst v63  }
0x55: {  	_ =	swait.ge [sflag:s17], $0x2000  }
0x56: {  	[sflag:s17] =	ssyncset.done $0x0  }
0x57: {  	[sflag:s17] =	ssyncadd.s32 $0xFFFFE000  }
0x58: {  	[spmem:s3] =	stream.indirect.scatter.add.f32 [tilespmem:s22], [sflag:$0x3], $0x40, s28, s21, $0xb8;
	[tilespmem:$0x1D100] =	vst v63  }
0x59: {  	_ =	swait.ge [sflag:s19], $0x2000  }
0x5a: {  	[sflag:s19] =	ssyncset.done $0x0  }
0x5b: {  	[sflag:s19] =	ssyncadd.s32 $0xFFFFE000  }
0x5c: {  	_ =	swait.ge [sflag:s25], $0x2000  }
0x5d: {  	s30 =	sadd.s32 $0x1, s30;
	[sflag:s25] =	ssyncset.done $0x0  }
0x5e: {  	p0 =	sne.s32 s30, s12;
	[sflag:s25] =	ssyncadd.s32 $0xFFFFE000  }
.Ltmp1:
0x5f: {  	s0 =	sor.u32 $0x1C06, s6;
	[bflag:$0x0] =	sbarrier.arrive $0xFFFF;
	(pc) =	sbr.rel @p0 .LBB2_1-.Ltmp1, $4  }
0x60: {  	[hbm:s11], [sflag:s0] =	dma.local [spmem:s15], $0x1400  }
0x61: {  	_ =	swait.ge [sflag:s29], $0x1400  }
0x62: {  	[sflag:s29] =	ssyncset.done $0x0  }
0x63: {  	[sflag:s29] =	ssyncadd.s32 $0xFFFFEC00  }
0x64: {  	_ =	sfence.sel $0x180000  }
0x65: {  	[bflag:$0x0] =	sbarrier.arrive $0xFFFF  }
0x66: {  	_ =	strace $0x90000047  }
0x67: {  	s0 =	stileid.u32;
	[bflag:$0x2] =	sbarrier.arrive $0xFFFF  }
0x68: {  	p0 =	sne.s32 s0, $0x0;
	s0 =	rddreg [dreg:$0x4]  }
0x69: {  	s0 =	sadd.s32 @!p0 $0x100000, s0  }
0x6a: {  	[sflag:s0] =	ssyncadd.tile.s32 @!p0 $0x1;
	_ =	shalt  }
.Lfunc_end2:
_tile_overlayer_lowered:
.L_overlay_start_2:
0x6b: {  	(tag) =	ssettag $0x2  }
0x6c: {  	s0 =	rddreg [dreg:$0x0];
	s2 =	stileid.u32  }
0x6d: {  	s1 =	rddreg [dreg:$0x1];
	p0 =	sne.s32 s2, $0x0  }
0x6e: {  	s3 =	rddreg [dreg:$0x2];
	[bflag:$0x3] =	sbarrier.arrive $0xFFFF;
	s2 =	simm.s32 @!p0 $0x1C06  }
0x6f: {  	[timem:s3], [sflag:s2] =	dma.local @!p0 [hbm:s0], s1  }
0x70: {  	s0 =	simm.s32 @!p0 $0x6  }
0x71: {  	_ =	swait.ge @!p0 [sflag:s0], s1  }
0x72: {  	s1 =	ssub.s32 @!p0 $0x0, s1;
	[sflag:s0] =	ssyncset.done @!p0 $0x0  }
0x73: {  	[sflag:s0] =	ssyncadd.s32 @!p0 s1  }
0x74: {  	[bflag:$0x3] =	sbarrier.arrive $0xFFFF  }
0x75: {  	_ =	shalt  }

</sc_bundles>
